<compile_context>
chip_gen: v7x
topology: tpu7x:2x2x1
jax: 0.10.2.dev20260603
libtpu: 0.0.44.dev20260713+nightly
codegen_flags: <defaults>
</compile_context>

<pallas_src>
import jax
import jax.numpy as jnp
from jax import lax
from jax.experimental import pallas as pl
from jax.experimental.pallas import tpu as pltpu
from jax.experimental.pallas import tpu_sc as plsc

_NW = 32
_CHUNK = 128
_CHUNKS_PER_W = 64
_D = 128


def _embed_body(table_hbm, idx_hbm, out_hbm, table_v, idx_v, r0, r1, r2, r3, gsem, wsem):
    c = lax.axis_index("c")
    s = lax.axis_index("s")
    wid = s * 2 + c
    pltpu.sync_copy(table_hbm, table_v)
    pltpu.sync_copy(idx_hbm.at[wid], idx_v)
    bufs = (r0, r1, r2, r3)

    def gather(j, slot):
        pltpu.async_copy(table_v.at[idx_v.at[j]], bufs[slot], gsem.at[slot])

    def wait_gather(j, slot):
        pltpu.make_async_copy(table_v.at[idx_v.at[j]], bufs[slot], gsem.at[slot]).wait()

    def write(j, slot):
        pltpu.async_copy(bufs[slot], out_hbm.at[wid, j], wsem.at[slot])

    def wait_write(j, slot):
        pltpu.make_async_copy(bufs[slot], out_hbm.at[wid, j], wsem.at[slot]).wait()

    gather(0, 0)
    gather(1, 1)
    wait_gather(0, 0)
    write(0, 0)
    gather(2, 2)
    wait_gather(1, 1)
    write(1, 1)
    gather(3, 3)

    def outer(i, carry):
        j0 = i * 4 + 2
        for b in range(4):
            j = j0 + b
            slot = (2 + b) % 4
            wait_gather(j, slot)
            write(j, slot)
            wait_write(j - 2, b)
            gather(j + 2, b)
        return carry

    lax.fori_loop(0, 15, outer, 0)

    wait_gather(62, 2)
    write(62, 2)
    wait_write(60, 0)
    wait_gather(63, 3)
    write(63, 3)
    wait_write(61, 1)
    wait_write(62, 2)
    wait_write(63, 3)


def kernel(species, W):
    idx = species.reshape(_NW, _CHUNKS_PER_W, _CHUNK)
    mesh = plsc.VectorSubcoreMesh(core_axis_name="c", subcore_axis_name="s")
    k = pl.kernel(
        _embed_body,
        out_type=jax.ShapeDtypeStruct((_NW, _CHUNKS_PER_W, _CHUNK, _D), jnp.float32),
        mesh=mesh,
        scratch_types=[
            pltpu.VMEM_SHARED((92, _D), jnp.float32),
            pltpu.VMEM((_CHUNKS_PER_W, _CHUNK), jnp.int32),
            pltpu.VMEM((_CHUNK, _D), jnp.float32),
            pltpu.VMEM((_CHUNK, _D), jnp.float32),
            pltpu.VMEM((_CHUNK, _D), jnp.float32),
            pltpu.VMEM((_CHUNK, _D), jnp.float32),
            pltpu.SemaphoreType.DMA((4,)),
            pltpu.SemaphoreType.DMA((4,)),
        ],
    )
    out = k(W, idx)
    b, g = species.shape[0], species.shape[1]
    return out.reshape(b, g, g, g, _D)

# --- scband reference (transcript-rebuilt; emitter-appended) ---
"""Pipeline reference for scband-species-two-way-embed-80255758893538 (READ-ONLY COPY).

The authoritative reference and input builder live on the scoring server;
editing this copy changes nothing except your own understanding.
"""

import jax, jax.numpy as jnp
import numpy as np

N_SPECIES = 92
EMBED_DIM = 128
BATCH = 8
GRID = 32


def _orthogonal_species_matrix(key):
    # species_embed_matrix(): orthogonal row vectors, shape (n_species, embed_dim).
    A = jax.random.normal(key, (EMBED_DIM, N_SPECIES), dtype=jnp.float32)
    Q, _ = jnp.linalg.qr(A)  # (embed_dim, n_species), orthonormal columns
    return Q.T  # (n_species, embed_dim), orthonormal rows


def setup_inputs(seed: int = 0) -> dict:
    key = jax.random.key(seed)
    k1, k2 = jax.random.split(key)
    W = _orthogonal_species_matrix(k1)
    # DataBatch species ids per voxel of the 3D density grid.
    species = jax.random.randint(k2, (BATCH, GRID, GRID, GRID), 0, N_SPECIES, dtype=jnp.int32)
    return {"species": species, "W": W}


def reference(species, W):
    # __call__: embed the batch as a 3D image, shape (batch, n, n, n, embed_dim).
    # Pure embedding lookup of the orthogonal species vectors at every voxel.
    im = jnp.take(W, species, axis=0)
    return im

if __name__ == "__main__":
    import jax
    _d = setup_inputs()
    print(jax.jit(kernel)(*tuple(_d.values())))

</pallas_src>

<mosaic_0001>
#map = affine_map<(d0, d1) -> (0, 0)>
#map1 = affine_map<(d0, d1) -> (0, 0, 0)>
#map2 = affine_map<(d0, d1) -> (0, 0, 0, 0)>
module attributes {stable_mosaic.version = 14 : i64} {
  func.func @_embed_body(%arg0: i32, %arg1: i32, %arg2: memref<92x128xf32, #tpu.memory_space<hbm>>, %arg3: memref<32x64x128xi32, #tpu.memory_space<hbm>>, %arg4: memref<32x64x128x128xf32, #tpu.memory_space<hbm>>, %arg5: memref<92x128xf32, #tpu.memory_space<vmem_shared>>, %arg6: memref<64x128xi32, #tpu.memory_space<vmem>>, %arg7: memref<128x128xf32, #tpu.memory_space<vmem>>, %arg8: memref<128x128xf32, #tpu.memory_space<vmem>>, %arg9: memref<128x128xf32, #tpu.memory_space<vmem>>, %arg10: memref<128x128xf32, #tpu.memory_space<vmem>>, %arg11: memref<4x!tpu.dma_semaphore, #tpu.memory_space<semaphore_mem>>, %arg12: memref<4x!tpu.dma_semaphore, #tpu.memory_space<semaphore_mem>>) attributes {dimension_semantics = [#tpu.dimension_semantics<core_parallel>, #tpu.dimension_semantics<subcore_parallel>], iteration_bounds = array<i64: 2, 16>, scalar_prefetch = 0 : i64, scratch_operands = 8 : i64, tpu.core_type = #tpu.core_type<sc_vector_subcore>, window_params = [{transform_indices = #map}, {transform_indices = #map1}, {transform_indices = #map2}]} {
    %mul3A = arith.constant 2 : i32
    %mul3A_0 = arith.muli %arg1, %mul3A : i32
    %add3A = arith.addi %mul3A_0, %arg0 : i32
    "tpu.region"() ({
      %run_scoped3A = tpu.sem_alloc : memref<!tpu.dma_semaphore, #tpu.memory_space<semaphore_mem>>
      tpu.enqueue_dma source(%arg2 : memref<92x128xf32, #tpu.memory_space<hbm>>) target(%arg5 : memref<92x128xf32, #tpu.memory_space<vmem_shared>>) target_semaphore(%run_scoped3A : memref<!tpu.dma_semaphore, #tpu.memory_space<semaphore_mem>>)
      tpu.wait_dma2 semaphore(%run_scoped3A : memref<!tpu.dma_semaphore, #tpu.memory_space<semaphore_mem>>) src(%arg2 : memref<92x128xf32, #tpu.memory_space<hbm>>) dst(%arg5 : memref<92x128xf32, #tpu.memory_space<vmem_shared>>)
      tpu.yield
    }) : () -> ()
    "tpu.region"() ({
      %run_scoped3A = tpu.sem_alloc : memref<!tpu.dma_semaphore, #tpu.memory_space<semaphore_mem>>
      %dma_start3A_180 = arith.constant 0 : i32
      %dma_start3A_181 = arith.constant 0 : i32
      %dma_start3A_182 = tpu.memref_slice %arg3[%add3A, %dma_start3A_180, %dma_start3A_181] : memref<32x64x128xi32, #tpu.memory_space<hbm>> -> memref<1x64x128xi32, #tpu.memory_space<hbm>>
      %dma_start3A_183 = tpu.memref_squeeze %dma_start3A_182 : memref<1x64x128xi32, #tpu.memory_space<hbm>> -> memref<64x128xi32, #tpu.memory_space<hbm>>
      %dma_start3A_184 = arith.constant 0 : i32
      %dma_start3A_185 = arith.constant 0 : i32
      %dma_start3A_186 = tpu.memref_slice %arg3[%add3A, %dma_start3A_184, %dma_start3A_185] : memref<32x64x128xi32, #tpu.memory_space<hbm>> -> memref<1x64x128xi32, #tpu.memory_space<hbm>>
      %dma_start3A_187 = tpu.memref_squeeze %dma_start3A_186 : memref<1x64x128xi32, #tpu.memory_space<hbm>> -> memref<64x128xi32, #tpu.memory_space<hbm>>
      tpu.enqueue_dma source(%dma_start3A_187 : memref<64x128xi32, #tpu.memory_space<hbm>>) target(%arg6 : memref<64x128xi32, #tpu.memory_space<vmem>>) target_semaphore(%run_scoped3A : memref<!tpu.dma_semaphore, #tpu.memory_space<semaphore_mem>>)
      %dma_wait3A_188 = arith.constant 0 : i32
      %dma_wait3A_189 = arith.constant 0 : i32
      %dma_wait3A_190 = tpu.memref_slice %arg3[%add3A, %dma_wait3A_188, %dma_wait3A_189] : memref<32x64x128xi32, #tpu.memory_space<hbm>> -> memref<1x64x128xi32, #tpu.memory_space<hbm>>
      %dma_wait3A_191 = tpu.memref_squeeze %dma_wait3A_190 : memref<1x64x128xi32, #tpu.memory_space<hbm>> -> memref<64x128xi32, #tpu.memory_space<hbm>>
      %dma_wait3A_192 = arith.constant 0 : i32
      %dma_wait3A_193 = arith.constant 0 : i32
      %dma_wait3A_194 = tpu.memref_slice %arg3[%add3A, %dma_wait3A_192, %dma_wait3A_193] : memref<32x64x128xi32, #tpu.memory_space<hbm>> -> memref<1x64x128xi32, #tpu.memory_space<hbm>>
      %dma_wait3A_195 = tpu.memref_squeeze %dma_wait3A_194 : memref<1x64x128xi32, #tpu.memory_space<hbm>> -> memref<64x128xi32, #tpu.memory_space<hbm>>
      tpu.wait_dma2 semaphore(%run_scoped3A : memref<!tpu.dma_semaphore, #tpu.memory_space<semaphore_mem>>) src(%dma_wait3A_195 : memref<64x128xi32, #tpu.memory_space<hbm>>) dst(%arg6 : memref<64x128xi32, #tpu.memory_space<vmem>>)
      tpu.yield
    }) : () -> ()
    %dma_start3A = arith.constant 0 : i32
    %dma_start3A_1 = arith.constant 0 : i32
    %dma_start3A_2 = arith.constant 0 : i32
    %dma_start3A_3 = tpu.memref_slice %arg6[%dma_start3A, %dma_start3A_2] : memref<64x128xi32, #tpu.memory_space<vmem>> -> memref<1x128xi32, #tpu.memory_space<vmem>>
    %dma_start3A_4 = tpu.memref_squeeze %dma_start3A_3 : memref<1x128xi32, #tpu.memory_space<vmem>> -> memref<128xi32, #tpu.memory_space<vmem>>
    %dma_start3A_5 = arith.constant 0 : i32
    %dma_start3A_6 = arith.constant 0 : i32
    %dma_start3A_7 = tpu.memref_slice %arg5[%dma_start3A_5, %dma_start3A_6] : memref<92x128xf32, #tpu.memory_space<vmem_shared>> -> memref<92x128xf32, #tpu.memory_space<vmem_shared>>
    %dma_start3A_8 = tpu.memref_slice %arg11[%dma_start3A_1] : memref<4x!tpu.dma_semaphore, #tpu.memory_space<semaphore_mem>> -> memref<1x!tpu.dma_semaphore, #tpu.memory_space<semaphore_mem>>
    %dma_start3A_9 = tpu.memref_squeeze %dma_start3A_8 : memref<1x!tpu.dma_semaphore, #tpu.memory_space<semaphore_mem>> -> memref<!tpu.dma_semaphore, #tpu.memory_space<semaphore_mem>>
    tpu.enqueue_indirect_dma source(%dma_start3A_7 : memref<92x128xf32, #tpu.memory_space<vmem_shared>>) target(%arg7 : memref<128x128xf32, #tpu.memory_space<vmem>>) offsets(%dma_start3A_4 : memref<128xi32, #tpu.memory_space<vmem>>) semaphore(%dma_start3A_9 : memref<!tpu.dma_semaphore, #tpu.memory_space<semaphore_mem>>)
    %dma_start3A_10 = arith.constant 1 : i32
    %dma_start3A_11 = arith.constant 1 : i32
    %dma_start3A_12 = arith.constant 0 : i32
    %dma_start3A_13 = tpu.memref_slice %arg6[%dma_start3A_10, %dma_start3A_12] : memref<64x128xi32, #tpu.memory_space<vmem>> -> memref<1x128xi32, #tpu.memory_space<vmem>>
    %dma_start3A_14 = tpu.memref_squeeze %dma_start3A_13 : memref<1x128xi32, #tpu.memory_space<vmem>> -> memref<128xi32, #tpu.memory_space<vmem>>
    %dma_start3A_15 = arith.constant 0 : i32
    %dma_start3A_16 = arith.constant 0 : i32
    %dma_start3A_17 = tpu.memref_slice %arg5[%dma_start3A_15, %dma_start3A_16] : memref<92x128xf32, #tpu.memory_space<vmem_shared>> -> memref<92x128xf32, #tpu.memory_space<vmem_shared>>
    %dma_start3A_18 = tpu.memref_slice %arg11[%dma_start3A_11] : memref<4x!tpu.dma_semaphore, #tpu.memory_space<semaphore_mem>> -> memref<1x!tpu.dma_semaphore, #tpu.memory_space<semaphore_mem>>
    %dma_start3A_19 = tpu.memref_squeeze %dma_start3A_18 : memref<1x!tpu.dma_semaphore, #tpu.memory_space<semaphore_mem>> -> memref<!tpu.dma_semaphore, #tpu.memory_space<semaphore_mem>>
    tpu.enqueue_indirect_dma source(%dma_start3A_17 : memref<92x128xf32, #tpu.memory_space<vmem_shared>>) target(%arg8 : memref<128x128xf32, #tpu.memory_space<vmem>>) offsets(%dma_start3A_14 : memref<128xi32, #tpu.memory_space<vmem>>) semaphore(%dma_start3A_19 : memref<!tpu.dma_semaphore, #tpu.memory_space<semaphore_mem>>)
    %dma_wait3A = arith.constant 0 : i32
    %dma_wait3A_20 = arith.constant 0 : i32
    %dma_wait3A_21 = arith.constant 0 : i32
    %dma_wait3A_22 = tpu.memref_slice %arg6[%dma_wait3A, %dma_wait3A_21] : memref<64x128xi32, #tpu.memory_space<vmem>> -> memref<1x128xi32, #tpu.memory_space<vmem>>
    %dma_wait3A_23 = tpu.memref_squeeze %dma_wait3A_22 : memref<1x128xi32, #tpu.memory_space<vmem>> -> memref<128xi32, #tpu.memory_space<vmem>>
    %dma_wait3A_24 = arith.constant 0 : i32
    %dma_wait3A_25 = arith.constant 0 : i32
    %dma_wait3A_26 = tpu.memref_slice %arg5[%dma_wait3A_24, %dma_wait3A_25] : memref<92x128xf32, #tpu.memory_space<vmem_shared>> -> memref<92x128xf32, #tpu.memory_space<vmem_shared>>
    %dma_wait3A_27 = tpu.memref_slice %arg11[%dma_wait3A_20] : memref<4x!tpu.dma_semaphore, #tpu.memory_space<semaphore_mem>> -> memref<1x!tpu.dma_semaphore, #tpu.memory_space<semaphore_mem>>
    %dma_wait3A_28 = tpu.memref_squeeze %dma_wait3A_27 : memref<1x!tpu.dma_semaphore, #tpu.memory_space<semaphore_mem>> -> memref<!tpu.dma_semaphore, #tpu.memory_space<semaphore_mem>>
    tpu.wait_indirect_dma semaphore(%dma_wait3A_28 : memref<!tpu.dma_semaphore, #tpu.memory_space<semaphore_mem>>) src(%dma_wait3A_26 : memref<92x128xf32, #tpu.memory_space<vmem_shared>>) dst(%arg7 : memref<128x128xf32, #tpu.memory_space<vmem>>)
    %dma_start3A_29 = arith.constant 0 : i32
    %dma_start3A_30 = arith.constant 0 : i32
    %dma_start3A_31 = arith.constant 0 : i32
    %dma_start3A_32 = arith.constant 0 : i32
    %dma_start3A_33 = tpu.memref_slice %arg4[%add3A, %dma_start3A_29, %dma_start3A_31, %dma_start3A_32] : memref<32x64x128x128xf32, #tpu.memory_space<hbm>> -> memref<1x1x128x128xf32, #tpu.memory_space<hbm>>
    %dma_start3A_34 = tpu.memref_squeeze %dma_start3A_33 : memref<1x1x128x128xf32, #tpu.memory_space<hbm>> -> memref<128x128xf32, #tpu.memory_space<hbm>>
    %dma_start3A_35 = tpu.memref_slice %arg12[%dma_start3A_30] : memref<4x!tpu.dma_semaphore, #tpu.memory_space<semaphore_mem>> -> memref<1x!tpu.dma_semaphore, #tpu.memory_space<semaphore_mem>>
    %dma_start3A_36 = tpu.memref_squeeze %dma_start3A_35 : memref<1x!tpu.dma_semaphore, #tpu.memory_space<semaphore_mem>> -> memref<!tpu.dma_semaphore, #tpu.memory_space<semaphore_mem>>
    %dma_start3A_37 = arith.constant 0 : i32
    %dma_start3A_38 = arith.constant 0 : i32
    %dma_start3A_39 = tpu.memref_slice %arg4[%add3A, %dma_start3A_29, %dma_start3A_37, %dma_start3A_38] : memref<32x64x128x128xf32, #tpu.memory_space<hbm>> -> memref<1x1x128x128xf32, #tpu.memory_space<hbm>>
    %dma_start3A_40 = tpu.memref_squeeze %dma_start3A_39 : memref<1x1x128x128xf32, #tpu.memory_space<hbm>> -> memref<128x128xf32, #tpu.memory_space<hbm>>
    tpu.enqueue_dma source(%arg7 : memref<128x128xf32, #tpu.memory_space<vmem>>) target(%dma_start3A_40 : memref<128x128xf32, #tpu.memory_space<hbm>>) target_semaphore(%dma_start3A_36 : memref<!tpu.dma_semaphore, #tpu.memory_space<semaphore_mem>>)
    %dma_start3A_41 = arith.constant 2 : i32
    %dma_start3A_42 = arith.constant 2 : i32
    %dma_start3A_43 = arith.constant 0 : i32
    %dma_start3A_44 = tpu.memref_slice %arg6[%dma_start3A_41, %dma_start3A_43] : memref<64x128xi32, #tpu.memory_space<vmem>> -> memref<1x128xi32, #tpu.memory_space<vmem>>
    %dma_start3A_45 = tpu.memref_squeeze %dma_start3A_44 : memref<1x128xi32, #tpu.memory_space<vmem>> -> memref<128xi32, #tpu.memory_space<vmem>>
    %dma_start3A_46 = arith.constant 0 : i32
    %dma_start3A_47 = arith.constant 0 : i32
    %dma_start3A_48 = tpu.memref_slice %arg5[%dma_start3A_46, %dma_start3A_47] : memref<92x128xf32, #tpu.memory_space<vmem_shared>> -> memref<92x128xf32, #tpu.memory_space<vmem_shared>>
    %dma_start3A_49 = tpu.memref_slice %arg11[%dma_start3A_42] : memref<4x!tpu.dma_semaphore, #tpu.memory_space<semaphore_mem>> -> memref<1x!tpu.dma_semaphore, #tpu.memory_space<semaphore_mem>>
    %dma_start3A_50 = tpu.memref_squeeze %dma_start3A_49 : memref<1x!tpu.dma_semaphore, #tpu.memory_space<semaphore_mem>> -> memref<!tpu.dma_semaphore, #tpu.memory_space<semaphore_mem>>
    tpu.enqueue_indirect_dma source(%dma_start3A_48 : memref<92x128xf32, #tpu.memory_space<vmem_shared>>) target(%arg9 : memref<128x128xf32, #tpu.memory_space<vmem>>) offsets(%dma_start3A_45 : memref<128xi32, #tpu.memory_space<vmem>>) semaphore(%dma_start3A_50 : memref<!tpu.dma_semaphore, #tpu.memory_space<semaphore_mem>>)
    %dma_wait3A_51 = arith.constant 1 : i32
    %dma_wait3A_52 = arith.constant 1 : i32
    %dma_wait3A_53 = arith.constant 0 : i32
    %dma_wait3A_54 = tpu.memref_slice %arg6[%dma_wait3A_51, %dma_wait3A_53] : memref<64x128xi32, #tpu.memory_space<vmem>> -> memref<1x128xi32, #tpu.memory_space<vmem>>
    %dma_wait3A_55 = tpu.memref_squeeze %dma_wait3A_54 : memref<1x128xi32, #tpu.memory_space<vmem>> -> memref<128xi32, #tpu.memory_space<vmem>>
    %dma_wait3A_56 = arith.constant 0 : i32
    %dma_wait3A_57 = arith.constant 0 : i32
    %dma_wait3A_58 = tpu.memref_slice %arg5[%dma_wait3A_56, %dma_wait3A_57] : memref<92x128xf32, #tpu.memory_space<vmem_shared>> -> memref<92x128xf32, #tpu.memory_space<vmem_shared>>
    %dma_wait3A_59 = tpu.memref_slice %arg11[%dma_wait3A_52] : memref<4x!tpu.dma_semaphore, #tpu.memory_space<semaphore_mem>> -> memref<1x!tpu.dma_semaphore, #tpu.memory_space<semaphore_mem>>
    %dma_wait3A_60 = tpu.memref_squeeze %dma_wait3A_59 : memref<1x!tpu.dma_semaphore, #tpu.memory_space<semaphore_mem>> -> memref<!tpu.dma_semaphore, #tpu.memory_space<semaphore_mem>>
    tpu.wait_indirect_dma semaphore(%dma_wait3A_60 : memref<!tpu.dma_semaphore, #tpu.memory_space<semaphore_mem>>) src(%dma_wait3A_58 : memref<92x128xf32, #tpu.memory_space<vmem_shared>>) dst(%arg8 : memref<128x128xf32, #tpu.memory_space<vmem>>)
    %dma_start3A_61 = arith.constant 1 : i32
    %dma_start3A_62 = arith.constant 1 : i32
    %dma_start3A_63 = arith.constant 0 : i32
    %dma_start3A_64 = arith.constant 0 : i32
    %dma_start3A_65 = tpu.memref_slice %arg4[%add3A, %dma_start3A_61, %dma_start3A_63, %dma_start3A_64] : memref<32x64x128x128xf32, #tpu.memory_space<hbm>> -> memref<1x1x128x128xf32, #tpu.memory_space<hbm>>
    %dma_start3A_66 = tpu.memref_squeeze %dma_start3A_65 : memref<1x1x128x128xf32, #tpu.memory_space<hbm>> -> memref<128x128xf32, #tpu.memory_space<hbm>>
    %dma_start3A_67 = tpu.memref_slice %arg12[%dma_start3A_62] : memref<4x!tpu.dma_semaphore, #tpu.memory_space<semaphore_mem>> -> memref<1x!tpu.dma_semaphore, #tpu.memory_space<semaphore_mem>>
    %dma_start3A_68 = tpu.memref_squeeze %dma_start3A_67 : memref<1x!tpu.dma_semaphore, #tpu.memory_space<semaphore_mem>> -> memref<!tpu.dma_semaphore, #tpu.memory_space<semaphore_mem>>
    %dma_start3A_69 = arith.constant 0 : i32
    %dma_start3A_70 = arith.constant 0 : i32
    %dma_start3A_71 = tpu.memref_slice %arg4[%add3A, %dma_start3A_61, %dma_start3A_69, %dma_start3A_70] : memref<32x64x128x128xf32, #tpu.memory_space<hbm>> -> memref<1x1x128x128xf32, #tpu.memory_space<hbm>>
    %dma_start3A_72 = tpu.memref_squeeze %dma_start3A_71 : memref<1x1x128x128xf32, #tpu.memory_space<hbm>> -> memref<128x128xf32, #tpu.memory_space<hbm>>
    tpu.enqueue_dma source(%arg8 : memref<128x128xf32, #tpu.memory_space<vmem>>) target(%dma_start3A_72 : memref<128x128xf32, #tpu.memory_space<hbm>>) target_semaphore(%dma_start3A_68 : memref<!tpu.dma_semaphore, #tpu.memory_space<semaphore_mem>>)
    %dma_start3A_73 = arith.constant 3 : i32
    %dma_start3A_74 = arith.constant 3 : i32
    %dma_start3A_75 = arith.constant 0 : i32
    %dma_start3A_76 = tpu.memref_slice %arg6[%dma_start3A_73, %dma_start3A_75] : memref<64x128xi32, #tpu.memory_space<vmem>> -> memref<1x128xi32, #tpu.memory_space<vmem>>
    %dma_start3A_77 = tpu.memref_squeeze %dma_start3A_76 : memref<1x128xi32, #tpu.memory_space<vmem>> -> memref<128xi32, #tpu.memory_space<vmem>>
    %dma_start3A_78 = arith.constant 0 : i32
    %dma_start3A_79 = arith.constant 0 : i32
    %dma_start3A_80 = tpu.memref_slice %arg5[%dma_start3A_78, %dma_start3A_79] : memref<92x128xf32, #tpu.memory_space<vmem_shared>> -> memref<92x128xf32, #tpu.memory_space<vmem_shared>>
    %dma_start3A_81 = tpu.memref_slice %arg11[%dma_start3A_74] : memref<4x!tpu.dma_semaphore, #tpu.memory_space<semaphore_mem>> -> memref<1x!tpu.dma_semaphore, #tpu.memory_space<semaphore_mem>>
    %dma_start3A_82 = tpu.memref_squeeze %dma_start3A_81 : memref<1x!tpu.dma_semaphore, #tpu.memory_space<semaphore_mem>> -> memref<!tpu.dma_semaphore, #tpu.memory_space<semaphore_mem>>
    tpu.enqueue_indirect_dma source(%dma_start3A_80 : memref<92x128xf32, #tpu.memory_space<vmem_shared>>) target(%arg10 : memref<128x128xf32, #tpu.memory_space<vmem>>) offsets(%dma_start3A_77 : memref<128xi32, #tpu.memory_space<vmem>>) semaphore(%dma_start3A_82 : memref<!tpu.dma_semaphore, #tpu.memory_space<semaphore_mem>>)
    %scan3A = arith.constant 0 : i32
    %scan3A_83 = arith.constant 0 : i32
    %scan3A_84 = arith.constant 15 : i32
    %scan3A_85 = arith.addi %scan3A_83, %scan3A_84 : i32
    %scan3A_86 = arith.constant 1 : i32
    scf.for %scan3A_180 = %scan3A_83 to %scan3A_85 step %scan3A_86  : i32 {
      %mul3A_181 = arith.constant 4 : i32
      %mul3A_182 = arith.muli %scan3A_180, %mul3A_181 : i32
      %add3A_183 = arith.constant 2 : i32
      %add3A_184 = arith.addi %mul3A_182, %add3A_183 : i32
      %add3A_185 = arith.constant 0 : i32
      %add3A_186 = arith.addi %add3A_184, %add3A_185 : i32
      %dma_wait3A_187 = arith.constant 2 : i32
      %dma_wait3A_188 = arith.constant 0 : i32
      %dma_wait3A_189 = tpu.memref_slice %arg6[%add3A_186, %dma_wait3A_188] : memref<64x128xi32, #tpu.memory_space<vmem>> -> memref<1x128xi32, #tpu.memory_space<vmem>>
      %dma_wait3A_190 = tpu.memref_squeeze %dma_wait3A_189 : memref<1x128xi32, #tpu.memory_space<vmem>> -> memref<128xi32, #tpu.memory_space<vmem>>
      %dma_wait3A_191 = arith.constant 0 : i32
      %dma_wait3A_192 = arith.constant 0 : i32
      %dma_wait3A_193 = tpu.memref_slice %arg5[%dma_wait3A_191, %dma_wait3A_192] : memref<92x128xf32, #tpu.memory_space<vmem_shared>> -> memref<92x128xf32, #tpu.memory_space<vmem_shared>>
      %dma_wait3A_194 = tpu.memref_slice %arg11[%dma_wait3A_187] : memref<4x!tpu.dma_semaphore, #tpu.memory_space<semaphore_mem>> -> memref<1x!tpu.dma_semaphore, #tpu.memory_space<semaphore_mem>>
      %dma_wait3A_195 = tpu.memref_squeeze %dma_wait3A_194 : memref<1x!tpu.dma_semaphore, #tpu.memory_space<semaphore_mem>> -> memref<!tpu.dma_semaphore, #tpu.memory_space<semaphore_mem>>
      tpu.wait_indirect_dma semaphore(%dma_wait3A_195 : memref<!tpu.dma_semaphore, #tpu.memory_space<semaphore_mem>>) src(%dma_wait3A_193 : memref<92x128xf32, #tpu.memory_space<vmem_shared>>) dst(%arg9 : memref<128x128xf32, #tpu.memory_space<vmem>>)
      %dma_start3A_196 = arith.constant 2 : i32
      %dma_start3A_197 = arith.constant 0 : i32
      %dma_start3A_198 = arith.constant 0 : i32
      %dma_start3A_199 = tpu.memref_slice %arg4[%add3A, %add3A_186, %dma_start3A_197, %dma_start3A_198] : memref<32x64x128x128xf32, #tpu.memory_space<hbm>> -> memref<1x1x128x128xf32, #tpu.memory_space<hbm>>
      %dma_start3A_200 = tpu.memref_squeeze %dma_start3A_199 : memref<1x1x128x128xf32, #tpu.memory_space<hbm>> -> memref<128x128xf32, #tpu.memory_space<hbm>>
      %dma_start3A_201 = tpu.memref_slice %arg12[%dma_start3A_196] : memref<4x!tpu.dma_semaphore, #tpu.memory_space<semaphore_mem>> -> memref<1x!tpu.dma_semaphore, #tpu.memory_space<semaphore_mem>>
      %dma_start3A_202 = tpu.memref_squeeze %dma_start3A_201 : memref<1x!tpu.dma_semaphore, #tpu.memory_space<semaphore_mem>> -> memref<!tpu.dma_semaphore, #tpu.memory_space<semaphore_mem>>
      %dma_start3A_203 = arith.constant 0 : i32
      %dma_start3A_204 = arith.constant 0 : i32
      %dma_start3A_205 = tpu.memref_slice %arg4[%add3A, %add3A_186, %dma_start3A_203, %dma_start3A_204] : memref<32x64x128x128xf32, #tpu.memory_space<hbm>> -> memref<1x1x128x128xf32, #tpu.memory_space<hbm>>
      %dma_start3A_206 = tpu.memref_squeeze %dma_start3A_205 : memref<1x1x128x128xf32, #tpu.memory_space<hbm>> -> memref<128x128xf32, #tpu.memory_space<hbm>>
      tpu.enqueue_dma source(%arg9 : memref<128x128xf32, #tpu.memory_space<vmem>>) target(%dma_start3A_206 : memref<128x128xf32, #tpu.memory_space<hbm>>) target_semaphore(%dma_start3A_202 : memref<!tpu.dma_semaphore, #tpu.memory_space<semaphore_mem>>)
      %sub3A = arith.constant 2 : i32
      %sub3A_207 = arith.subi %add3A_186, %sub3A : i32
      %dma_wait3A_208 = arith.constant 0 : i32
      %dma_wait3A_209 = arith.constant 0 : i32
      %dma_wait3A_210 = arith.constant 0 : i32
      %dma_wait3A_211 = tpu.memref_slice %arg4[%add3A, %sub3A_207, %dma_wait3A_209, %dma_wait3A_210] : memref<32x64x128x128xf32, #tpu.memory_space<hbm>> -> memref<1x1x128x128xf32, #tpu.memory_space<hbm>>
      %dma_wait3A_212 = tpu.memref_squeeze %dma_wait3A_211 : memref<1x1x128x128xf32, #tpu.memory_space<hbm>> -> memref<128x128xf32, #tpu.memory_space<hbm>>
      %dma_wait3A_213 = tpu.memref_slice %arg12[%dma_wait3A_208] : memref<4x!tpu.dma_semaphore, #tpu.memory_space<semaphore_mem>> -> memref<1x!tpu.dma_semaphore, #tpu.memory_space<semaphore_mem>>
      %dma_wait3A_214 = tpu.memref_squeeze %dma_wait3A_213 : memref<1x!tpu.dma_semaphore, #tpu.memory_space<semaphore_mem>> -> memref<!tpu.dma_semaphore, #tpu.memory_space<semaphore_mem>>
      %dma_wait3A_215 = arith.constant 0 : i32
      %dma_wait3A_216 = arith.constant 0 : i32
      %dma_wait3A_217 = tpu.memref_slice %arg4[%add3A, %sub3A_207, %dma_wait3A_215, %dma_wait3A_216] : memref<32x64x128x128xf32, #tpu.memory_space<hbm>> -> memref<1x1x128x128xf32, #tpu.memory_space<hbm>>
      %dma_wait3A_218 = tpu.memref_squeeze %dma_wait3A_217 : memref<1x1x128x128xf32, #tpu.memory_space<hbm>> -> memref<128x128xf32, #tpu.memory_space<hbm>>
      tpu.wait_dma2 semaphore(%dma_wait3A_214 : memref<!tpu.dma_semaphore, #tpu.memory_space<semaphore_mem>>) src(%arg7 : memref<128x128xf32, #tpu.memory_space<vmem>>) dst(%dma_wait3A_218 : memref<128x128xf32, #tpu.memory_space<hbm>>)
      %add3A_219 = arith.constant 2 : i32
      %add3A_220 = arith.addi %add3A_186, %add3A_219 : i32
      %dma_start3A_221 = arith.constant 0 : i32
      %dma_start3A_222 = arith.constant 0 : i32
      %dma_start3A_223 = tpu.memref_slice %arg6[%add3A_220, %dma_start3A_222] : memref<64x128xi32, #tpu.memory_space<vmem>> -> memref<1x128xi32, #tpu.memory_space<vmem>>
      %dma_start3A_224 = tpu.memref_squeeze %dma_start3A_223 : memref<1x128xi32, #tpu.memory_space<vmem>> -> memref<128xi32, #tpu.memory_space<vmem>>
      %dma_start3A_225 = arith.constant 0 : i32
      %dma_start3A_226 = arith.constant 0 : i32
      %dma_start3A_227 = tpu.memref_slice %arg5[%dma_start3A_225, %dma_start3A_226] : memref<92x128xf32, #tpu.memory_space<vmem_shared>> -> memref<92x128xf32, #tpu.memory_space<vmem_shared>>
      %dma_start3A_228 = tpu.memref_slice %arg11[%dma_start3A_221] : memref<4x!tpu.dma_semaphore, #tpu.memory_space<semaphore_mem>> -> memref<1x!tpu.dma_semaphore, #tpu.memory_space<semaphore_mem>>
      %dma_start3A_229 = tpu.memref_squeeze %dma_start3A_228 : memref<1x!tpu.dma_semaphore, #tpu.memory_space<semaphore_mem>> -> memref<!tpu.dma_semaphore, #tpu.memory_space<semaphore_mem>>
      tpu.enqueue_indirect_dma source(%dma_start3A_227 : memref<92x128xf32, #tpu.memory_space<vmem_shared>>) target(%arg7 : memref<128x128xf32, #tpu.memory_space<vmem>>) offsets(%dma_start3A_224 : memref<128xi32, #tpu.memory_space<vmem>>) semaphore(%dma_start3A_229 : memref<!tpu.dma_semaphore, #tpu.memory_space<semaphore_mem>>)
      %add3A_230 = arith.constant 1 : i32
      %add3A_231 = arith.addi %add3A_184, %add3A_230 : i32
      %dma_wait3A_232 = arith.constant 3 : i32
      %dma_wait3A_233 = arith.constant 0 : i32
      %dma_wait3A_234 = tpu.memref_slice %arg6[%add3A_231, %dma_wait3A_233] : memref<64x128xi32, #tpu.memory_space<vmem>> -> memref<1x128xi32, #tpu.memory_space<vmem>>
      %dma_wait3A_235 = tpu.memref_squeeze %dma_wait3A_234 : memref<1x128xi32, #tpu.memory_space<vmem>> -> memref<128xi32, #tpu.memory_space<vmem>>
      %dma_wait3A_236 = arith.constant 0 : i32
      %dma_wait3A_237 = arith.constant 0 : i32
      %dma_wait3A_238 = tpu.memref_slice %arg5[%dma_wait3A_236, %dma_wait3A_237] : memref<92x128xf32, #tpu.memory_space<vmem_shared>> -> memref<92x128xf32, #tpu.memory_space<vmem_shared>>
      %dma_wait3A_239 = tpu.memref_slice %arg11[%dma_wait3A_232] : memref<4x!tpu.dma_semaphore, #tpu.memory_space<semaphore_mem>> -> memref<1x!tpu.dma_semaphore, #tpu.memory_space<semaphore_mem>>
      %dma_wait3A_240 = tpu.memref_squeeze %dma_wait3A_239 : memref<1x!tpu.dma_semaphore, #tpu.memory_space<semaphore_mem>> -> memref<!tpu.dma_semaphore, #tpu.memory_space<semaphore_mem>>
      tpu.wait_indirect_dma semaphore(%dma_wait3A_240 : memref<!tpu.dma_semaphore, #tpu.memory_space<semaphore_mem>>) src(%dma_wait3A_238 : memref<92x128xf32, #tpu.memory_space<vmem_shared>>) dst(%arg10 : memref<128x128xf32, #tpu.memory_space<vmem>>)
      %dma_start3A_241 = arith.constant 3 : i32
      %dma_start3A_242 = arith.constant 0 : i32
      %dma_start3A_243 = arith.constant 0 : i32
      %dma_start3A_244 = tpu.memref_slice %arg4[%add3A, %add3A_231, %dma_start3A_242, %dma_start3A_243] : memref<32x64x128x128xf32, #tpu.memory_space<hbm>> -> memref<1x1x128x128xf32, #tpu.memory_space<hbm>>
      %dma_start3A_245 = tpu.memref_squeeze %dma_start3A_244 : memref<1x1x128x128xf32, #tpu.memory_space<hbm>> -> memref<128x128xf32, #tpu.memory_space<hbm>>
      %dma_start3A_246 = tpu.memref_slice %arg12[%dma_start3A_241] : memref<4x!tpu.dma_semaphore, #tpu.memory_space<semaphore_mem>> -> memref<1x!tpu.dma_semaphore, #tpu.memory_space<semaphore_mem>>
      %dma_start3A_247 = tpu.memref_squeeze %dma_start3A_246 : memref<1x!tpu.dma_semaphore, #tpu.memory_space<semaphore_mem>> -> memref<!tpu.dma_semaphore, #tpu.memory_space<semaphore_mem>>
      %dma_start3A_248 = arith.constant 0 : i32
      %dma_start3A_249 = arith.constant 0 : i32
      %dma_start3A_250 = tpu.memref_slice %arg4[%add3A, %add3A_231, %dma_start3A_248, %dma_start3A_249] : memref<32x64x128x128xf32, #tpu.memory_space<hbm>> -> memref<1x1x128x128xf32, #tpu.memory_space<hbm>>
      %dma_start3A_251 = tpu.memref_squeeze %dma_start3A_250 : memref<1x1x128x128xf32, #tpu.memory_space<hbm>> -> memref<128x128xf32, #tpu.memory_space<hbm>>
      tpu.enqueue_dma source(%arg10 : memref<128x128xf32, #tpu.memory_space<vmem>>) target(%dma_start3A_251 : memref<128x128xf32, #tpu.memory_space<hbm>>) target_semaphore(%dma_start3A_247 : memref<!tpu.dma_semaphore, #tpu.memory_space<semaphore_mem>>)
      %sub3A_252 = arith.constant 2 : i32
      %sub3A_253 = arith.subi %add3A_231, %sub3A_252 : i32
      %dma_wait3A_254 = arith.constant 1 : i32
      %dma_wait3A_255 = arith.constant 0 : i32
      %dma_wait3A_256 = arith.constant 0 : i32
      %dma_wait3A_257 = tpu.memref_slice %arg4[%add3A, %sub3A_253, %dma_wait3A_255, %dma_wait3A_256] : memref<32x64x128x128xf32, #tpu.memory_space<hbm>> -> memref<1x1x128x128xf32, #tpu.memory_space<hbm>>
      %dma_wait3A_258 = tpu.memref_squeeze %dma_wait3A_257 : memref<1x1x128x128xf32, #tpu.memory_space<hbm>> -> memref<128x128xf32, #tpu.memory_space<hbm>>
      %dma_wait3A_259 = tpu.memref_slice %arg12[%dma_wait3A_254] : memref<4x!tpu.dma_semaphore, #tpu.memory_space<semaphore_mem>> -> memref<1x!tpu.dma_semaphore, #tpu.memory_space<semaphore_mem>>
      %dma_wait3A_260 = tpu.memref_squeeze %dma_wait3A_259 : memref<1x!tpu.dma_semaphore, #tpu.memory_space<semaphore_mem>> -> memref<!tpu.dma_semaphore, #tpu.memory_space<semaphore_mem>>
      %dma_wait3A_261 = arith.constant 0 : i32
      %dma_wait3A_262 = arith.constant 0 : i32
      %dma_wait3A_263 = tpu.memref_slice %arg4[%add3A, %sub3A_253, %dma_wait3A_261, %dma_wait3A_262] : memref<32x64x128x128xf32, #tpu.memory_space<hbm>> -> memref<1x1x128x128xf32, #tpu.memory_space<hbm>>
      %dma_wait3A_264 = tpu.memref_squeeze %dma_wait3A_263 : memref<1x1x128x128xf32, #tpu.memory_space<hbm>> -> memref<128x128xf32, #tpu.memory_space<hbm>>
      tpu.wait_dma2 semaphore(%dma_wait3A_260 : memref<!tpu.dma_semaphore, #tpu.memory_space<semaphore_mem>>) src(%arg8 : memref<128x128xf32, #tpu.memory_space<vmem>>) dst(%dma_wait3A_264 : memref<128x128xf32, #tpu.memory_space<hbm>>)
      %add3A_265 = arith.constant 2 : i32
      %add3A_266 = arith.addi %add3A_231, %add3A_265 : i32
      %dma_start3A_267 = arith.constant 1 : i32
      %dma_start3A_268 = arith.constant 0 : i32
      %dma_start3A_269 = tpu.memref_slice %arg6[%add3A_266, %dma_start3A_268] : memref<64x128xi32, #tpu.memory_space<vmem>> -> memref<1x128xi32, #tpu.memory_space<vmem>>
      %dma_start3A_270 = tpu.memref_squeeze %dma_start3A_269 : memref<1x128xi32, #tpu.memory_space<vmem>> -> memref<128xi32, #tpu.memory_space<vmem>>
      %dma_start3A_271 = arith.constant 0 : i32
      %dma_start3A_272 = arith.constant 0 : i32
      %dma_start3A_273 = tpu.memref_slice %arg5[%dma_start3A_271, %dma_start3A_272] : memref<92x128xf32, #tpu.memory_space<vmem_shared>> -> memref<92x128xf32, #tpu.memory_space<vmem_shared>>
      %dma_start3A_274 = tpu.memref_slice %arg11[%dma_start3A_267] : memref<4x!tpu.dma_semaphore, #tpu.memory_space<semaphore_mem>> -> memref<1x!tpu.dma_semaphore, #tpu.memory_space<semaphore_mem>>
      %dma_start3A_275 = tpu.memref_squeeze %dma_start3A_274 : memref<1x!tpu.dma_semaphore, #tpu.memory_space<semaphore_mem>> -> memref<!tpu.dma_semaphore, #tpu.memory_space<semaphore_mem>>
      tpu.enqueue_indirect_dma source(%dma_start3A_273 : memref<92x128xf32, #tpu.memory_space<vmem_shared>>) target(%arg8 : memref<128x128xf32, #tpu.memory_space<vmem>>) offsets(%dma_start3A_270 : memref<128xi32, #tpu.memory_space<vmem>>) semaphore(%dma_start3A_275 : memref<!tpu.dma_semaphore, #tpu.memory_space<semaphore_mem>>)
      %add3A_276 = arith.constant 2 : i32
      %add3A_277 = arith.addi %add3A_184, %add3A_276 : i32
      %dma_wait3A_278 = arith.constant 0 : i32
      %dma_wait3A_279 = arith.constant 0 : i32
      %dma_wait3A_280 = tpu.memref_slice %arg6[%add3A_277, %dma_wait3A_279] : memref<64x128xi32, #tpu.memory_space<vmem>> -> memref<1x128xi32, #tpu.memory_space<vmem>>
      %dma_wait3A_281 = tpu.memref_squeeze %dma_wait3A_280 : memref<1x128xi32, #tpu.memory_space<vmem>> -> memref<128xi32, #tpu.memory_space<vmem>>
      %dma_wait3A_282 = arith.constant 0 : i32
      %dma_wait3A_283 = arith.constant 0 : i32
      %dma_wait3A_284 = tpu.memref_slice %arg5[%dma_wait3A_282, %dma_wait3A_283] : memref<92x128xf32, #tpu.memory_space<vmem_shared>> -> memref<92x128xf32, #tpu.memory_space<vmem_shared>>
      %dma_wait3A_285 = tpu.memref_slice %arg11[%dma_wait3A_278] : memref<4x!tpu.dma_semaphore, #tpu.memory_space<semaphore_mem>> -> memref<1x!tpu.dma_semaphore, #tpu.memory_space<semaphore_mem>>
      %dma_wait3A_286 = tpu.memref_squeeze %dma_wait3A_285 : memref<1x!tpu.dma_semaphore, #tpu.memory_space<semaphore_mem>> -> memref<!tpu.dma_semaphore, #tpu.memory_space<semaphore_mem>>
      tpu.wait_indirect_dma semaphore(%dma_wait3A_286 : memref<!tpu.dma_semaphore, #tpu.memory_space<semaphore_mem>>) src(%dma_wait3A_284 : memref<92x128xf32, #tpu.memory_space<vmem_shared>>) dst(%arg7 : memref<128x128xf32, #tpu.memory_space<vmem>>)
      %dma_start3A_287 = arith.constant 0 : i32
      %dma_start3A_288 = arith.constant 0 : i32
      %dma_start3A_289 = arith.constant 0 : i32
      %dma_start3A_290 = tpu.memref_slice %arg4[%add3A, %add3A_277, %dma_start3A_288, %dma_start3A_289] : memref<32x64x128x128xf32, #tpu.memory_space<hbm>> -> memref<1x1x128x128xf32, #tpu.memory_space<hbm>>
      %dma_start3A_291 = tpu.memref_squeeze %dma_start3A_290 : memref<1x1x128x128xf32, #tpu.memory_space<hbm>> -> memref<128x128xf32, #tpu.memory_space<hbm>>
      %dma_start3A_292 = tpu.memref_slice %arg12[%dma_start3A_287] : memref<4x!tpu.dma_semaphore, #tpu.memory_space<semaphore_mem>> -> memref<1x!tpu.dma_semaphore, #tpu.memory_space<semaphore_mem>>
      %dma_start3A_293 = tpu.memref_squeeze %dma_start3A_292 : memref<1x!tpu.dma_semaphore, #tpu.memory_space<semaphore_mem>> -> memref<!tpu.dma_semaphore, #tpu.memory_space<semaphore_mem>>
      %dma_start3A_294 = arith.constant 0 : i32
      %dma_start3A_295 = arith.constant 0 : i32
      %dma_start3A_296 = tpu.memref_slice %arg4[%add3A, %add3A_277, %dma_start3A_294, %dma_start3A_295] : memref<32x64x128x128xf32, #tpu.memory_space<hbm>> -> memref<1x1x128x128xf32, #tpu.memory_space<hbm>>
      %dma_start3A_297 = tpu.memref_squeeze %dma_start3A_296 : memref<1x1x128x128xf32, #tpu.memory_space<hbm>> -> memref<128x128xf32, #tpu.memory_space<hbm>>
      tpu.enqueue_dma source(%arg7 : memref<128x128xf32, #tpu.memory_space<vmem>>) target(%dma_start3A_297 : memref<128x128xf32, #tpu.memory_space<hbm>>) target_semaphore(%dma_start3A_293 : memref<!tpu.dma_semaphore, #tpu.memory_space<semaphore_mem>>)
      %sub3A_298 = arith.constant 2 : i32
      %sub3A_299 = arith.subi %add3A_277, %sub3A_298 : i32
      %dma_wait3A_300 = arith.constant 2 : i32
      %dma_wait3A_301 = arith.constant 0 : i32
      %dma_wait3A_302 = arith.constant 0 : i32
      %dma_wait3A_303 = tpu.memref_slice %arg4[%add3A, %sub3A_299, %dma_wait3A_301, %dma_wait3A_302] : memref<32x64x128x128xf32, #tpu.memory_space<hbm>> -> memref<1x1x128x128xf32, #tpu.memory_space<hbm>>
      %dma_wait3A_304 = tpu.memref_squeeze %dma_wait3A_303 : memref<1x1x128x128xf32, #tpu.memory_space<hbm>> -> memref<128x128xf32, #tpu.memory_space<hbm>>
      %dma_wait3A_305 = tpu.memref_slice %arg12[%dma_wait3A_300] : memref<4x!tpu.dma_semaphore, #tpu.memory_space<semaphore_mem>> -> memref<1x!tpu.dma_semaphore, #tpu.memory_space<semaphore_mem>>
      %dma_wait3A_306 = tpu.memref_squeeze %dma_wait3A_305 : memref<1x!tpu.dma_semaphore, #tpu.memory_space<semaphore_mem>> -> memref<!tpu.dma_semaphore, #tpu.memory_space<semaphore_mem>>
      %dma_wait3A_307 = arith.constant 0 : i32
      %dma_wait3A_308 = arith.constant 0 : i32
      %dma_wait3A_309 = tpu.memref_slice %arg4[%add3A, %sub3A_299, %dma_wait3A_307, %dma_wait3A_308] : memref<32x64x128x128xf32, #tpu.memory_space<hbm>> -> memref<1x1x128x128xf32, #tpu.memory_space<hbm>>
      %dma_wait3A_310 = tpu.memref_squeeze %dma_wait3A_309 : memref<1x1x128x128xf32, #tpu.memory_space<hbm>> -> memref<128x128xf32, #tpu.memory_space<hbm>>
      tpu.wait_dma2 semaphore(%dma_wait3A_306 : memref<!tpu.dma_semaphore, #tpu.memory_space<semaphore_mem>>) src(%arg9 : memref<128x128xf32, #tpu.memory_space<vmem>>) dst(%dma_wait3A_310 : memref<128x128xf32, #tpu.memory_space<hbm>>)
      %add3A_311 = arith.constant 2 : i32
      %add3A_312 = arith.addi %add3A_277, %add3A_311 : i32
      %dma_start3A_313 = arith.constant 2 : i32
      %dma_start3A_314 = arith.constant 0 : i32
      %dma_start3A_315 = tpu.memref_slice %arg6[%add3A_312, %dma_start3A_314] : memref<64x128xi32, #tpu.memory_space<vmem>> -> memref<1x128xi32, #tpu.memory_space<vmem>>
      %dma_start3A_316 = tpu.memref_squeeze %dma_start3A_315 : memref<1x128xi32, #tpu.memory_space<vmem>> -> memref<128xi32, #tpu.memory_space<vmem>>
      %dma_start3A_317 = arith.constant 0 : i32
      %dma_start3A_318 = arith.constant 0 : i32
      %dma_start3A_319 = tpu.memref_slice %arg5[%dma_start3A_317, %dma_start3A_318] : memref<92x128xf32, #tpu.memory_space<vmem_shared>> -> memref<92x128xf32, #tpu.memory_space<vmem_shared>>
      %dma_start3A_320 = tpu.memref_slice %arg11[%dma_start3A_313] : memref<4x!tpu.dma_semaphore, #tpu.memory_space<semaphore_mem>> -> memref<1x!tpu.dma_semaphore, #tpu.memory_space<semaphore_mem>>
      %dma_start3A_321 = tpu.memref_squeeze %dma_start3A_320 : memref<1x!tpu.dma_semaphore, #tpu.memory_space<semaphore_mem>> -> memref<!tpu.dma_semaphore, #tpu.memory_space<semaphore_mem>>
      tpu.enqueue_indirect_dma source(%dma_start3A_319 : memref<92x128xf32, #tpu.memory_space<vmem_shared>>) target(%arg9 : memref<128x128xf32, #tpu.memory_space<vmem>>) offsets(%dma_start3A_316 : memref<128xi32, #tpu.memory_space<vmem>>) semaphore(%dma_start3A_321 : memref<!tpu.dma_semaphore, #tpu.memory_space<semaphore_mem>>)
      %add3A_322 = arith.constant 3 : i32
      %add3A_323 = arith.addi %add3A_184, %add3A_322 : i32
      %dma_wait3A_324 = arith.constant 1 : i32
      %dma_wait3A_325 = arith.constant 0 : i32
      %dma_wait3A_326 = tpu.memref_slice %arg6[%add3A_323, %dma_wait3A_325] : memref<64x128xi32, #tpu.memory_space<vmem>> -> memref<1x128xi32, #tpu.memory_space<vmem>>
      %dma_wait3A_327 = tpu.memref_squeeze %dma_wait3A_326 : memref<1x128xi32, #tpu.memory_space<vmem>> -> memref<128xi32, #tpu.memory_space<vmem>>
      %dma_wait3A_328 = arith.constant 0 : i32
      %dma_wait3A_329 = arith.constant 0 : i32
      %dma_wait3A_330 = tpu.memref_slice %arg5[%dma_wait3A_328, %dma_wait3A_329] : memref<92x128xf32, #tpu.memory_space<vmem_shared>> -> memref<92x128xf32, #tpu.memory_space<vmem_shared>>
      %dma_wait3A_331 = tpu.memref_slice %arg11[%dma_wait3A_324] : memref<4x!tpu.dma_semaphore, #tpu.memory_space<semaphore_mem>> -> memref<1x!tpu.dma_semaphore, #tpu.memory_space<semaphore_mem>>
      %dma_wait3A_332 = tpu.memref_squeeze %dma_wait3A_331 : memref<1x!tpu.dma_semaphore, #tpu.memory_space<semaphore_mem>> -> memref<!tpu.dma_semaphore, #tpu.memory_space<semaphore_mem>>
      tpu.wait_indirect_dma semaphore(%dma_wait3A_332 : memref<!tpu.dma_semaphore, #tpu.memory_space<semaphore_mem>>) src(%dma_wait3A_330 : memref<92x128xf32, #tpu.memory_space<vmem_shared>>) dst(%arg8 : memref<128x128xf32, #tpu.memory_space<vmem>>)
      %dma_start3A_333 = arith.constant 1 : i32
      %dma_start3A_334 = arith.constant 0 : i32
      %dma_start3A_335 = arith.constant 0 : i32
      %dma_start3A_336 = tpu.memref_slice %arg4[%add3A, %add3A_323, %dma_start3A_334, %dma_start3A_335] : memref<32x64x128x128xf32, #tpu.memory_space<hbm>> -> memref<1x1x128x128xf32, #tpu.memory_space<hbm>>
      %dma_start3A_337 = tpu.memref_squeeze %dma_start3A_336 : memref<1x1x128x128xf32, #tpu.memory_space<hbm>> -> memref<128x128xf32, #tpu.memory_space<hbm>>
      %dma_start3A_338 = tpu.memref_slice %arg12[%dma_start3A_333] : memref<4x!tpu.dma_semaphore, #tpu.memory_space<semaphore_mem>> -> memref<1x!tpu.dma_semaphore, #tpu.memory_space<semaphore_mem>>
      %dma_start3A_339 = tpu.memref_squeeze %dma_start3A_338 : memref<1x!tpu.dma_semaphore, #tpu.memory_space<semaphore_mem>> -> memref<!tpu.dma_semaphore, #tpu.memory_space<semaphore_mem>>
      %dma_start3A_340 = arith.constant 0 : i32
      %dma_start3A_341 = arith.constant 0 : i32
      %dma_start3A_342 = tpu.memref_slice %arg4[%add3A, %add3A_323, %dma_start3A_340, %dma_start3A_341] : memref<32x64x128x128xf32, #tpu.memory_space<hbm>> -> memref<1x1x128x128xf32, #tpu.memory_space<hbm>>
      %dma_start3A_343 = tpu.memref_squeeze %dma_start3A_342 : memref<1x1x128x128xf32, #tpu.memory_space<hbm>> -> memref<128x128xf32, #tpu.memory_space<hbm>>
      tpu.enqueue_dma source(%arg8 : memref<128x128xf32, #tpu.memory_space<vmem>>) target(%dma_start3A_343 : memref<128x128xf32, #tpu.memory_space<hbm>>) target_semaphore(%dma_start3A_339 : memref<!tpu.dma_semaphore, #tpu.memory_space<semaphore_mem>>)
      %sub3A_344 = arith.constant 2 : i32
      %sub3A_345 = arith.subi %add3A_323, %sub3A_344 : i32
      %dma_wait3A_346 = arith.constant 3 : i32
      %dma_wait3A_347 = arith.constant 0 : i32
      %dma_wait3A_348 = arith.constant 0 : i32
      %dma_wait3A_349 = tpu.memref_slice %arg4[%add3A, %sub3A_345, %dma_wait3A_347, %dma_wait3A_348] : memref<32x64x128x128xf32, #tpu.memory_space<hbm>> -> memref<1x1x128x128xf32, #tpu.memory_space<hbm>>
      %dma_wait3A_350 = tpu.memref_squeeze %dma_wait3A_349 : memref<1x1x128x128xf32, #tpu.memory_space<hbm>> -> memref<128x128xf32, #tpu.memory_space<hbm>>
      %dma_wait3A_351 = tpu.memref_slice %arg12[%dma_wait3A_346] : memref<4x!tpu.dma_semaphore, #tpu.memory_space<semaphore_mem>> -> memref<1x!tpu.dma_semaphore, #tpu.memory_space<semaphore_mem>>
      %dma_wait3A_352 = tpu.memref_squeeze %dma_wait3A_351 : memref<1x!tpu.dma_semaphore, #tpu.memory_space<semaphore_mem>> -> memref<!tpu.dma_semaphore, #tpu.memory_space<semaphore_mem>>
      %dma_wait3A_353 = arith.constant 0 : i32
      %dma_wait3A_354 = arith.constant 0 : i32
      %dma_wait3A_355 = tpu.memref_slice %arg4[%add3A, %sub3A_345, %dma_wait3A_353, %dma_wait3A_354] : memref<32x64x128x128xf32, #tpu.memory_space<hbm>> -> memref<1x1x128x128xf32, #tpu.memory_space<hbm>>
      %dma_wait3A_356 = tpu.memref_squeeze %dma_wait3A_355 : memref<1x1x128x128xf32, #tpu.memory_space<hbm>> -> memref<128x128xf32, #tpu.memory_space<hbm>>
      tpu.wait_dma2 semaphore(%dma_wait3A_352 : memref<!tpu.dma_semaphore, #tpu.memory_space<semaphore_mem>>) src(%arg10 : memref<128x128xf32, #tpu.memory_space<vmem>>) dst(%dma_wait3A_356 : memref<128x128xf32, #tpu.memory_space<hbm>>)
      %add3A_357 = arith.constant 2 : i32
      %add3A_358 = arith.addi %add3A_323, %add3A_357 : i32
      %dma_start3A_359 = arith.constant 3 : i32
      %dma_start3A_360 = arith.constant 0 : i32
      %dma_start3A_361 = tpu.memref_slice %arg6[%add3A_358, %dma_start3A_360] : memref<64x128xi32, #tpu.memory_space<vmem>> -> memref<1x128xi32, #tpu.memory_space<vmem>>
      %dma_start3A_362 = tpu.memref_squeeze %dma_start3A_361 : memref<1x128xi32, #tpu.memory_space<vmem>> -> memref<128xi32, #tpu.memory_space<vmem>>
      %dma_start3A_363 = arith.constant 0 : i32
      %dma_start3A_364 = arith.constant 0 : i32
      %dma_start3A_365 = tpu.memref_slice %arg5[%dma_start3A_363, %dma_start3A_364] : memref<92x128xf32, #tpu.memory_space<vmem_shared>> -> memref<92x128xf32, #tpu.memory_space<vmem_shared>>
      %dma_start3A_366 = tpu.memref_slice %arg11[%dma_start3A_359] : memref<4x!tpu.dma_semaphore, #tpu.memory_space<semaphore_mem>> -> memref<1x!tpu.dma_semaphore, #tpu.memory_space<semaphore_mem>>
      %dma_start3A_367 = tpu.memref_squeeze %dma_start3A_366 : memref<1x!tpu.dma_semaphore, #tpu.memory_space<semaphore_mem>> -> memref<!tpu.dma_semaphore, #tpu.memory_space<semaphore_mem>>
      tpu.enqueue_indirect_dma source(%dma_start3A_365 : memref<92x128xf32, #tpu.memory_space<vmem_shared>>) target(%arg10 : memref<128x128xf32, #tpu.memory_space<vmem>>) offsets(%dma_start3A_362 : memref<128xi32, #tpu.memory_space<vmem>>) semaphore(%dma_start3A_367 : memref<!tpu.dma_semaphore, #tpu.memory_space<semaphore_mem>>)
    }
    %scan3A_87 = arith.constant 15 : i32
    %dma_wait3A_88 = arith.constant 62 : i32
    %dma_wait3A_89 = arith.constant 2 : i32
    %dma_wait3A_90 = arith.constant 0 : i32
    %dma_wait3A_91 = tpu.memref_slice %arg6[%dma_wait3A_88, %dma_wait3A_90] : memref<64x128xi32, #tpu.memory_space<vmem>> -> memref<1x128xi32, #tpu.memory_space<vmem>>
    %dma_wait3A_92 = tpu.memref_squeeze %dma_wait3A_91 : memref<1x128xi32, #tpu.memory_space<vmem>> -> memref<128xi32, #tpu.memory_space<vmem>>
    %dma_wait3A_93 = arith.constant 0 : i32
    %dma_wait3A_94 = arith.constant 0 : i32
    %dma_wait3A_95 = tpu.memref_slice %arg5[%dma_wait3A_93, %dma_wait3A_94] : memref<92x128xf32, #tpu.memory_space<vmem_shared>> -> memref<92x128xf32, #tpu.memory_space<vmem_shared>>
    %dma_wait3A_96 = tpu.memref_slice %arg11[%dma_wait3A_89] : memref<4x!tpu.dma_semaphore, #tpu.memory_space<semaphore_mem>> -> memref<1x!tpu.dma_semaphore, #tpu.memory_space<semaphore_mem>>
    %dma_wait3A_97 = tpu.memref_squeeze %dma_wait3A_96 : memref<1x!tpu.dma_semaphore, #tpu.memory_space<semaphore_mem>> -> memref<!tpu.dma_semaphore, #tpu.memory_space<semaphore_mem>>
    tpu.wait_indirect_dma semaphore(%dma_wait3A_97 : memref<!tpu.dma_semaphore, #tpu.memory_space<semaphore_mem>>) src(%dma_wait3A_95 : memref<92x128xf32, #tpu.memory_space<vmem_shared>>) dst(%arg9 : memref<128x128xf32, #tpu.memory_space<vmem>>)
    %dma_start3A_98 = arith.constant 62 : i32
    %dma_start3A_99 = arith.constant 2 : i32
    %dma_start3A_100 = arith.constant 0 : i32
    %dma_start3A_101 = arith.constant 0 : i32
    %dma_start3A_102 = tpu.memref_slice %arg4[%add3A, %dma_start3A_98, %dma_start3A_100, %dma_start3A_101] : memref<32x64x128x128xf32, #tpu.memory_space<hbm>> -> memref<1x1x128x128xf32, #tpu.memory_space<hbm>>
    %dma_start3A_103 = tpu.memref_squeeze %dma_start3A_102 : memref<1x1x128x128xf32, #tpu.memory_space<hbm>> -> memref<128x128xf32, #tpu.memory_space<hbm>>
    %dma_start3A_104 = tpu.memref_slice %arg12[%dma_start3A_99] : memref<4x!tpu.dma_semaphore, #tpu.memory_space<semaphore_mem>> -> memref<1x!tpu.dma_semaphore, #tpu.memory_space<semaphore_mem>>
    %dma_start3A_105 = tpu.memref_squeeze %dma_start3A_104 : memref<1x!tpu.dma_semaphore, #tpu.memory_space<semaphore_mem>> -> memref<!tpu.dma_semaphore, #tpu.memory_space<semaphore_mem>>
    %dma_start3A_106 = arith.constant 0 : i32
    %dma_start3A_107 = arith.constant 0 : i32
    %dma_start3A_108 = tpu.memref_slice %arg4[%add3A, %dma_start3A_98, %dma_start3A_106, %dma_start3A_107] : memref<32x64x128x128xf32, #tpu.memory_space<hbm>> -> memref<1x1x128x128xf32, #tpu.memory_space<hbm>>
    %dma_start3A_109 = tpu.memref_squeeze %dma_start3A_108 : memref<1x1x128x128xf32, #tpu.memory_space<hbm>> -> memref<128x128xf32, #tpu.memory_space<hbm>>
    tpu.enqueue_dma source(%arg9 : memref<128x128xf32, #tpu.memory_space<vmem>>) target(%dma_start3A_109 : memref<128x128xf32, #tpu.memory_space<hbm>>) target_semaphore(%dma_start3A_105 : memref<!tpu.dma_semaphore, #tpu.memory_space<semaphore_mem>>)
    %dma_wait3A_110 = arith.constant 60 : i32
    %dma_wait3A_111 = arith.constant 0 : i32
    %dma_wait3A_112 = arith.constant 0 : i32
    %dma_wait3A_113 = arith.constant 0 : i32
    %dma_wait3A_114 = tpu.memref_slice %arg4[%add3A, %dma_wait3A_110, %dma_wait3A_112, %dma_wait3A_113] : memref<32x64x128x128xf32, #tpu.memory_space<hbm>> -> memref<1x1x128x128xf32, #tpu.memory_space<hbm>>
    %dma_wait3A_115 = tpu.memref_squeeze %dma_wait3A_114 : memref<1x1x128x128xf32, #tpu.memory_space<hbm>> -> memref<128x128xf32, #tpu.memory_space<hbm>>
    %dma_wait3A_116 = tpu.memref_slice %arg12[%dma_wait3A_111] : memref<4x!tpu.dma_semaphore, #tpu.memory_space<semaphore_mem>> -> memref<1x!tpu.dma_semaphore, #tpu.memory_space<semaphore_mem>>
    %dma_wait3A_117 = tpu.memref_squeeze %dma_wait3A_116 : memref<1x!tpu.dma_semaphore, #tpu.memory_space<semaphore_mem>> -> memref<!tpu.dma_semaphore, #tpu.memory_space<semaphore_mem>>
    %dma_wait3A_118 = arith.constant 0 : i32
    %dma_wait3A_119 = arith.constant 0 : i32
    %dma_wait3A_120 = tpu.memref_slice %arg4[%add3A, %dma_wait3A_110, %dma_wait3A_118, %dma_wait3A_119] : memref<32x64x128x128xf32, #tpu.memory_space<hbm>> -> memref<1x1x128x128xf32, #tpu.memory_space<hbm>>
    %dma_wait3A_121 = tpu.memref_squeeze %dma_wait3A_120 : memref<1x1x128x128xf32, #tpu.memory_space<hbm>> -> memref<128x128xf32, #tpu.memory_space<hbm>>
    tpu.wait_dma2 semaphore(%dma_wait3A_117 : memref<!tpu.dma_semaphore, #tpu.memory_space<semaphore_mem>>) src(%arg7 : memref<128x128xf32, #tpu.memory_space<vmem>>) dst(%dma_wait3A_121 : memref<128x128xf32, #tpu.memory_space<hbm>>)
    %dma_wait3A_122 = arith.constant 63 : i32
    %dma_wait3A_123 = arith.constant 3 : i32
    %dma_wait3A_124 = arith.constant 0 : i32
    %dma_wait3A_125 = tpu.memref_slice %arg6[%dma_wait3A_122, %dma_wait3A_124] : memref<64x128xi32, #tpu.memory_space<vmem>> -> memref<1x128xi32, #tpu.memory_space<vmem>>
    %dma_wait3A_126 = tpu.memref_squeeze %dma_wait3A_125 : memref<1x128xi32, #tpu.memory_space<vmem>> -> memref<128xi32, #tpu.memory_space<vmem>>
    %dma_wait3A_127 = arith.constant 0 : i32
    %dma_wait3A_128 = arith.constant 0 : i32
    %dma_wait3A_129 = tpu.memref_slice %arg5[%dma_wait3A_127, %dma_wait3A_128] : memref<92x128xf32, #tpu.memory_space<vmem_shared>> -> memref<92x128xf32, #tpu.memory_space<vmem_shared>>
    %dma_wait3A_130 = tpu.memref_slice %arg11[%dma_wait3A_123] : memref<4x!tpu.dma_semaphore, #tpu.memory_space<semaphore_mem>> -> memref<1x!tpu.dma_semaphore, #tpu.memory_space<semaphore_mem>>
    %dma_wait3A_131 = tpu.memref_squeeze %dma_wait3A_130 : memref<1x!tpu.dma_semaphore, #tpu.memory_space<semaphore_mem>> -> memref<!tpu.dma_semaphore, #tpu.memory_space<semaphore_mem>>
    tpu.wait_indirect_dma semaphore(%dma_wait3A_131 : memref<!tpu.dma_semaphore, #tpu.memory_space<semaphore_mem>>) src(%dma_wait3A_129 : memref<92x128xf32, #tpu.memory_space<vmem_shared>>) dst(%arg10 : memref<128x128xf32, #tpu.memory_space<vmem>>)
    %dma_start3A_132 = arith.constant 63 : i32
    %dma_start3A_133 = arith.constant 3 : i32
    %dma_start3A_134 = arith.constant 0 : i32
    %dma_start3A_135 = arith.constant 0 : i32
    %dma_start3A_136 = tpu.memref_slice %arg4[%add3A, %dma_start3A_132, %dma_start3A_134, %dma_start3A_135] : memref<32x64x128x128xf32, #tpu.memory_space<hbm>> -> memref<1x1x128x128xf32, #tpu.memory_space<hbm>>
    %dma_start3A_137 = tpu.memref_squeeze %dma_start3A_136 : memref<1x1x128x128xf32, #tpu.memory_space<hbm>> -> memref<128x128xf32, #tpu.memory_space<hbm>>
    %dma_start3A_138 = tpu.memref_slice %arg12[%dma_start3A_133] : memref<4x!tpu.dma_semaphore, #tpu.memory_space<semaphore_mem>> -> memref<1x!tpu.dma_semaphore, #tpu.memory_space<semaphore_mem>>
    %dma_start3A_139 = tpu.memref_squeeze %dma_start3A_138 : memref<1x!tpu.dma_semaphore, #tpu.memory_space<semaphore_mem>> -> memref<!tpu.dma_semaphore, #tpu.memory_space<semaphore_mem>>
    %dma_start3A_140 = arith.constant 0 : i32
    %dma_start3A_141 = arith.constant 0 : i32
    %dma_start3A_142 = tpu.memref_slice %arg4[%add3A, %dma_start3A_132, %dma_start3A_140, %dma_start3A_141] : memref<32x64x128x128xf32, #tpu.memory_space<hbm>> -> memref<1x1x128x128xf32, #tpu.memory_space<hbm>>
    %dma_start3A_143 = tpu.memref_squeeze %dma_start3A_142 : memref<1x1x128x128xf32, #tpu.memory_space<hbm>> -> memref<128x128xf32, #tpu.memory_space<hbm>>
    tpu.enqueue_dma source(%arg10 : memref<128x128xf32, #tpu.memory_space<vmem>>) target(%dma_start3A_143 : memref<128x128xf32, #tpu.memory_space<hbm>>) target_semaphore(%dma_start3A_139 : memref<!tpu.dma_semaphore, #tpu.memory_space<semaphore_mem>>)
    %dma_wait3A_144 = arith.constant 61 : i32
    %dma_wait3A_145 = arith.constant 1 : i32
    %dma_wait3A_146 = arith.constant 0 : i32
    %dma_wait3A_147 = arith.constant 0 : i32
    %dma_wait3A_148 = tpu.memref_slice %arg4[%add3A, %dma_wait3A_144, %dma_wait3A_146, %dma_wait3A_147] : memref<32x64x128x128xf32, #tpu.memory_space<hbm>> -> memref<1x1x128x128xf32, #tpu.memory_space<hbm>>
    %dma_wait3A_149 = tpu.memref_squeeze %dma_wait3A_148 : memref<1x1x128x128xf32, #tpu.memory_space<hbm>> -> memref<128x128xf32, #tpu.memory_space<hbm>>
    %dma_wait3A_150 = tpu.memref_slice %arg12[%dma_wait3A_145] : memref<4x!tpu.dma_semaphore, #tpu.memory_space<semaphore_mem>> -> memref<1x!tpu.dma_semaphore, #tpu.memory_space<semaphore_mem>>
    %dma_wait3A_151 = tpu.memref_squeeze %dma_wait3A_150 : memref<1x!tpu.dma_semaphore, #tpu.memory_space<semaphore_mem>> -> memref<!tpu.dma_semaphore, #tpu.memory_space<semaphore_mem>>
    %dma_wait3A_152 = arith.constant 0 : i32
    %dma_wait3A_153 = arith.constant 0 : i32
    %dma_wait3A_154 = tpu.memref_slice %arg4[%add3A, %dma_wait3A_144, %dma_wait3A_152, %dma_wait3A_153] : memref<32x64x128x128xf32, #tpu.memory_space<hbm>> -> memref<1x1x128x128xf32, #tpu.memory_space<hbm>>
    %dma_wait3A_155 = tpu.memref_squeeze %dma_wait3A_154 : memref<1x1x128x128xf32, #tpu.memory_space<hbm>> -> memref<128x128xf32, #tpu.memory_space<hbm>>
    tpu.wait_dma2 semaphore(%dma_wait3A_151 : memref<!tpu.dma_semaphore, #tpu.memory_space<semaphore_mem>>) src(%arg8 : memref<128x128xf32, #tpu.memory_space<vmem>>) dst(%dma_wait3A_155 : memref<128x128xf32, #tpu.memory_space<hbm>>)
    %dma_wait3A_156 = arith.constant 62 : i32
    %dma_wait3A_157 = arith.constant 2 : i32
    %dma_wait3A_158 = arith.constant 0 : i32
    %dma_wait3A_159 = arith.constant 0 : i32
    %dma_wait3A_160 = tpu.memref_slice %arg4[%add3A, %dma_wait3A_156, %dma_wait3A_158, %dma_wait3A_159] : memref<32x64x128x128xf32, #tpu.memory_space<hbm>> -> memref<1x1x128x128xf32, #tpu.memory_space<hbm>>
    %dma_wait3A_161 = tpu.memref_squeeze %dma_wait3A_160 : memref<1x1x128x128xf32, #tpu.memory_space<hbm>> -> memref<128x128xf32, #tpu.memory_space<hbm>>
    %dma_wait3A_162 = tpu.memref_slice %arg12[%dma_wait3A_157] : memref<4x!tpu.dma_semaphore, #tpu.memory_space<semaphore_mem>> -> memref<1x!tpu.dma_semaphore, #tpu.memory_space<semaphore_mem>>
    %dma_wait3A_163 = tpu.memref_squeeze %dma_wait3A_162 : memref<1x!tpu.dma_semaphore, #tpu.memory_space<semaphore_mem>> -> memref<!tpu.dma_semaphore, #tpu.memory_space<semaphore_mem>>
    %dma_wait3A_164 = arith.constant 0 : i32
    %dma_wait3A_165 = arith.constant 0 : i32
    %dma_wait3A_166 = tpu.memref_slice %arg4[%add3A, %dma_wait3A_156, %dma_wait3A_164, %dma_wait3A_165] : memref<32x64x128x128xf32, #tpu.memory_space<hbm>> -> memref<1x1x128x128xf32, #tpu.memory_space<hbm>>
    %dma_wait3A_167 = tpu.memref_squeeze %dma_wait3A_166 : memref<1x1x128x128xf32, #tpu.memory_space<hbm>> -> memref<128x128xf32, #tpu.memory_space<hbm>>
    tpu.wait_dma2 semaphore(%dma_wait3A_163 : memref<!tpu.dma_semaphore, #tpu.memory_space<semaphore_mem>>) src(%arg9 : memref<128x128xf32, #tpu.memory_space<vmem>>) dst(%dma_wait3A_167 : memref<128x128xf32, #tpu.memory_space<hbm>>)
    %dma_wait3A_168 = arith.constant 63 : i32
    %dma_wait3A_169 = arith.constant 3 : i32
    %dma_wait3A_170 = arith.constant 0 : i32
    %dma_wait3A_171 = arith.constant 0 : i32
    %dma_wait3A_172 = tpu.memref_slice %arg4[%add3A, %dma_wait3A_168, %dma_wait3A_170, %dma_wait3A_171] : memref<32x64x128x128xf32, #tpu.memory_space<hbm>> -> memref<1x1x128x128xf32, #tpu.memory_space<hbm>>
    %dma_wait3A_173 = tpu.memref_squeeze %dma_wait3A_172 : memref<1x1x128x128xf32, #tpu.memory_space<hbm>> -> memref<128x128xf32, #tpu.memory_space<hbm>>
    %dma_wait3A_174 = tpu.memref_slice %arg12[%dma_wait3A_169] : memref<4x!tpu.dma_semaphore, #tpu.memory_space<semaphore_mem>> -> memref<1x!tpu.dma_semaphore, #tpu.memory_space<semaphore_mem>>
    %dma_wait3A_175 = tpu.memref_squeeze %dma_wait3A_174 : memref<1x!tpu.dma_semaphore, #tpu.memory_space<semaphore_mem>> -> memref<!tpu.dma_semaphore, #tpu.memory_space<semaphore_mem>>
    %dma_wait3A_176 = arith.constant 0 : i32
    %dma_wait3A_177 = arith.constant 0 : i32
    %dma_wait3A_178 = tpu.memref_slice %arg4[%add3A, %dma_wait3A_168, %dma_wait3A_176, %dma_wait3A_177] : memref<32x64x128x128xf32, #tpu.memory_space<hbm>> -> memref<1x1x128x128xf32, #tpu.memory_space<hbm>>
    %dma_wait3A_179 = tpu.memref_squeeze %dma_wait3A_178 : memref<1x1x128x128xf32, #tpu.memory_space<hbm>> -> memref<128x128xf32, #tpu.memory_space<hbm>>
    tpu.wait_dma2 semaphore(%dma_wait3A_175 : memref<!tpu.dma_semaphore, #tpu.memory_space<semaphore_mem>>) src(%arg10 : memref<128x128xf32, #tpu.memory_space<vmem>>) dst(%dma_wait3A_179 : memref<128x128xf32, #tpu.memory_space<hbm>>)
    return
  }
}

</mosaic_0001>

<sc_bundles>
// kernel: kernel.3.cloned.1.call-start
scs
__scs_entry_jumppad:
0x0: {  	(pc) =	sbr.rel $0x88, $3  }
0x1: {  	(tag) =	ssettag $0x0;
	lr =	simm.s32 $0x1  }
0x2: {  	[smem:$0x3F9F] =	sst lr;
	_ =	strace $0xD0000000  }
0x3: {  	_ = 	snop  }
0x4: {  	_ = 	snop  }
0x5: {  	_ = 	snop  }
0x6: {  	_ = 	snop  }
0x7: {  	_ = 	snop  }
__scs_overlays_trampoline_lowered:
0x8: {  	[smem:$0x3FAE] =	sst s0  }
0x9: {  	[smem:$0x3FAF] =	sst s1  }
0xa: {  	[smem:$0x3FB0] =	sst s2  }
0xb: {  	[smem:$0x3FB1] =	sst s3  }
0xc: {  	[smem:$0x3FB2] =	sst s4  }
0xd: {  	[smem:$0x3FB3] =	sst s5  }
0xe: {  	[smem:$0x3FB4] =	sst s6  }
0xf: {  	[smem:$0x3FB5] =	sst s7  }
0x10: {  	[smem:$0x3FB6] =	sst s8  }
0x11: {  	[smem:$0x3FB7] =	sst s9;
	s0 =	simm.s32 @!p0 $0x0  }
0x12: {  	s1 =	sld [smem:$0x3F9D];
	s0 =	simm.s32 @p0 $0x1  }
0x13: {  	[smem:$0x3FB8] =	sst s0;
	s0 =	simm.s32 @!p1 $0x0  }
0x14: {  	s2 =	sld [smem:$0x3F9C];
	s0 =	simm.s32 @p1 $0x1  }
0x15: {  	[smem:$0x3FB9] =	sst s0;
	s0 =	simm.s32 @!p2 $0x0  }
0x16: {  	s3 =	sld [smem:$0x3FDB];
	s0 =	simm.s32 @p2 $0x1  }
0x17: {  	s4 =	simm.s32 $0x1BF5;
	[smem:$0x3FBB] =	sst s0  }
0x18: {  	s0 =	sld [smem:$0x3F9E];
	_ =	swait.ge [sflag:s4], $0x0  }
0x19: {  	s7 =	sld [smem:$0x3F9F]  }
0x1a: {  	s8 =	sadd.s32 $0xFFFFE003, lr  }
0x1b: {  	s9 =	sadd.s32 $0xFFFFFEF7, lr;
	s5 =	simm.s32 $0xFFFFFFFF;
	p2 =	slt.u32 s8, $0xFFFFF086  }
0x1c: {  	p1 =	slt.u32 s9, $0xF7A;
	s5 =	simm.s32 @!p2 $0x0  }
0x1d: {  	s5 =	simm.s32 @p1 $0x1;
	p0 =	seq.s32 s7, s2  }
0x1e: {  	s7 =	smul.u32 @!p0 $0xF7A, s2;
	p2 =	seq.s32 @!p0 s5, $0x0  }
0x1f: {  	s9 =	smul.u32 $0xF7A, s1;
	s8 =	simm.s32 @!p0 $0x1BF5;
	p2 =	por !p2, p0  }
0x20: {  	[sflag:s8] =	ssyncset.s32 @!p0 $0xFFFFF086;
	s6 =	sadd.s32 @!p0 s3, s7;
	s7 =	simm.s32 @!p0 $0x108  }
0x21: {  	s3 =	sadd.s32 s3, s9;
	s6 =	sadd.s32 @!p0 $0x88, s6;
	s7 =	simm.s32 @p2 $0x1082  }
0x22: {  	[simem:s7], [sflag:s8] =	dma.local @!p0 [hbm:s6], $0xF7A  }
0x23: {  	s9 =	sor.u32 $0xD0000000, s2;
	s6 =	simm.s32 $0x108;
	_ =	swait.ge @!p0 [sflag:s8], $0x0  }
0x24: {  	s3 =	sadd.s32 $0x88, s3;
	s6 =	simm.s32 @!p1 $0x1082;
	[sflag:s4] =	ssyncset.s32 $0xFFFFF086  }
0x25: {  	[simem:s6], [sflag:s4] =	dma.local [hbm:s3], $0xF7A  }
0x26: {  	[smem:$0x3F9F] =	sst s1;
	(tag) =	ssettag s2;
	_ =	strace s9  }
0x27: {  	s1 =	sld [smem:$0x3FAF]  }
0x28: {  	s2 =	sld [smem:$0x3FB0]  }
0x29: {  	s4 =	sld [smem:$0x3FB2]  }
0x2a: {  	p0 =	seq.s32 s5, $0x0;
	s5 =	sld [smem:$0x3FB3]  }
0x2b: {  	s6 =	sld [smem:$0x3FB4]  }
0x2c: {  	s7 =	sld [smem:$0x3FB5]  }
0x2d: {  	s3 =	simm.s32 $0x108;
	s8 =	sld [smem:$0x3FB6]  }
0x2e: {  	s3 =	simm.s32 @!p0 $0x1082;
	s9 =	sld [smem:$0x3FB7]  }
0x2f: {  	lr =	sadd.s32 s0, s3;
	s0 =	sld [smem:$0x3FAE]  }
0x30: {  	s3 =	sld [smem:$0x3FB1]  }
0x31: {  	[smem:$0x3FBA] =	sst s10  }
0x32: {  	s10 =	sld [smem:$0x3FB8];
	_ =	sdelay $0x3  }
0x33: {  	p0 =	seq.s32 s10, $0x1;
	s10 =	sld [smem:$0x3FBA];
	_ =	sdelay $0x3  }
0x34: {  	[smem:$0x3FBA] =	sst s10  }
0x35: {  	s10 =	sld [smem:$0x3FB9];
	_ =	sdelay $0x3  }
0x36: {  	p1 =	seq.s32 s10, $0x1;
	s10 =	sld [smem:$0x3FBA];
	_ =	sdelay $0x3  }
0x37: {  	[smem:$0x3FBA] =	sst s10  }
0x38: {  	s10 =	sld [smem:$0x3FBB]  }
0x39: {  	_ = 	snop;
	(pc) =	sbr.ind lr, $3  }
0x3a: {  	_ = 	snop  }
0x3b: {  	_ = 	snop  }
0x3c: {  	p2 =	seq.s32 s10, $0x1;
	s10 =	sld [smem:$0x3FBA]  }
0x3d: {  	_ =	shalt  }
0x3e: {  	_ =	shalt  }
0x3f: {  	_ =	shalt  }
0x40: {  	_ =	shalt  }
0x41: {  	_ =	shalt  }
0x42: {  	_ =	shalt  }
0x43: {  	_ =	shalt  }
0x44: {  	_ =	shalt  }
0x45: {  	_ =	shalt  }
0x46: {  	_ =	shalt  }
0x47: {  	_ =	shalt  }
0x48: {  	_ =	shalt  }
0x49: {  	_ =	shalt  }
0x4a: {  	_ =	shalt  }
0x4b: {  	_ =	shalt  }
0x4c: {  	_ =	shalt  }
0x4d: {  	_ =	shalt  }
0x4e: {  	_ =	shalt  }
0x4f: {  	_ =	shalt  }
0x50: {  	_ =	shalt  }
0x51: {  	_ =	shalt  }
0x52: {  	_ =	shalt  }
0x53: {  	_ =	shalt  }
0x54: {  	_ =	shalt  }
0x55: {  	_ =	shalt  }
0x56: {  	_ =	shalt  }
0x57: {  	_ =	shalt  }
0x58: {  	_ =	shalt  }
0x59: {  	_ =	shalt  }
0x5a: {  	_ =	shalt  }
0x5b: {  	_ =	shalt  }
0x5c: {  	_ =	shalt  }
0x5d: {  	_ =	shalt  }
0x5e: {  	_ =	shalt  }
0x5f: {  	_ =	shalt  }
0x60: {  	_ =	shalt  }
0x61: {  	_ =	shalt  }
0x62: {  	_ =	shalt  }
0x63: {  	_ =	shalt  }
0x64: {  	_ =	shalt  }
0x65: {  	_ =	shalt  }
0x66: {  	_ =	shalt  }
0x67: {  	_ =	shalt  }
0x68: {  	_ =	shalt  }
0x69: {  	_ =	shalt  }
0x6a: {  	_ =	shalt  }
0x6b: {  	_ =	shalt  }
0x6c: {  	_ =	shalt  }
0x6d: {  	_ =	shalt  }
0x6e: {  	_ =	shalt  }
0x6f: {  	_ =	shalt  }
0x70: {  	_ =	shalt  }
0x71: {  	_ =	shalt  }
0x72: {  	_ =	shalt  }
0x73: {  	_ =	shalt  }
0x74: {  	_ =	shalt  }
0x75: {  	_ =	shalt  }
0x76: {  	_ =	shalt  }
0x77: {  	_ =	shalt  }
0x78: {  	_ =	shalt  }
0x79: {  	_ =	shalt  }
0x7a: {  	_ =	shalt  }
0x7b: {  	_ =	shalt  }
0x7c: {  	_ =	shalt  }
0x7d: {  	_ =	shalt  }
0x7e: {  	_ =	shalt  }
0x7f: {  	_ =	shalt  }
0x80: {  	_ =	shalt  }
0x81: {  	_ =	shalt  }
0x82: {  	_ =	shalt  }
0x83: {  	_ =	shalt  }
0x84: {  	_ =	shalt  }
0x85: {  	_ =	shalt  }
0x86: {  	_ =	shalt  }
0x87: {  	_ =	shalt  }
.Lfunc_end0:
.L_simem_size_0:
called_computation_lowered:
.L_overlay_start_0:
0x88: {  	s2 =	sld [smem:$0x3FD9]  }
0x89: {  	s3 =	sld [smem:$0x3FFE];
	_ =	sdelay $0x1  }
0x8a: {  	s1 =	srdreg.scid  }
0x8b: {  	s0 =	sand.u32 $0x1, s1  }
0x8c: {  	s17 =	sshll.u32 s0, $0xA;
	s2 =	sadd.s32 s3, s2  }
0x8d: {  	s2 =	sadd.s32 s2, s17  }
0x8e: {  	[smem:$0x3FC6] =	sst s2  }
0x8f: {  	_ = 	snop  }
0x90: {  	s2 =	sld [smem:$0x3FC8]  }
0x91: {  	s18 =	sld [smem:$0x3FD0];
	(tm) =	ssettm $0x1  }
0x92: {  	s4 =	sld [smem:$0x3FFB];
	_ =	sdelay $0x3  }
0x93: {  	_ =	strace s4  }
0x94: {  	s4 =	sld [smem:$0x3FFC];
	_ =	sdelay $0x3  }
0x95: {  	_ =	strace s4  }
0x96: {  	s4 =	sld [smem:$0x3FFD];
	_ =	sdelay $0x3  }
0x97: {  	_ =	strace s4  }
0x98: {  	_ =	strace $0x8FFFFFFF  }
0x99: {  	s19 =	sld [smem:$0x3FDB];
	_ =	sdelay $0x1  }
0x9a: {  	s5 =	simm.s32 $_scs_section_size  }
0x9b: {  	s6 =	simm.s32 $_size__tile_overlayer_lowered;
	s7 =	simm.s32 $_tile_overlayer_lowered  }
0x9c: {  	s22 =	simm.s32 $0x1BFF;
	s21 =	sshll.u32 s7, $0x1;
	s4 =	sadd.s32 s5, s19  }
0x9d: {  	s8 =	simm.s32 $0x0;
	s20 =	sshll.u32 s6, $0x1;
	s6 =	sadd.s32 s21, s4  }
0x9e: {  	[timem:s8], [sflag:s22] =	dma.local [hbm:s6], s20  }
0x9f: {  	_ =	swait.ge [sflag:s22], s20  }
0xa0: {  	s5 =	ssub.s32 $0x0, s20;
	[sflag:s22] =	ssyncset.done $0x0  }
0xa1: {  	[sflag:s22] =	ssyncadd.s32 s5;
	_ =	sdelay $0x1  }
0xa2: {  	s23 =	simm.s32 $0x1B8B  }
0xa3: {  	_ =	swait.ge [sflag:s23], $0x1  }
0xa4: {  	[sflag:s23] =	ssyncset.done $0x0  }
0xa5: {  	s25 =	simm.s32 $0x1B8E;
	s24 =	sld [smem:$0x3FFE];
	[sflag:s23] =	ssyncadd.s32 $0xFFFFFFFF  }
0xa6: {  	s26 =	simm.s32 $execute0_lowered;
	[smem:$0x3FD2] =	sst s25  }
0xa7: {  	s6 =	sshll.u32 s26, $0x1;
	_ =	strace $0x80000046;
	[dreg:$0x1] =	wrdreg $0xFFFFFFFF  }
0xa8: {  	s28 =	simm.s32 $_size_execute0_lowered;
	s4 =	sadd.s32 s4, s6;
	[dreg:$0x0] =	wrdreg $0x0  }
0xa9: {  	s6 =	sshll.u32 s28, $0x1;
	[dreg:$0x2] =	wrdreg s4  }
0xaa: {  	[dreg:$0x3] =	wrdreg s6  }
0xab: {  	[dreg:$0x4] =	wrdreg $0xC0  }
0xac: {  	_ =	task [dreg:s8], $0x5FFFF  }
0xad: {  	[dreg:$0x1] =	wrdreg $0xFFFFFFFF  }
0xae: {  	[dreg:$0x0] =	wrdreg $0x60  }
0xaf: {  	[dreg:$0x2] =	wrdreg s2  }
0xb0: {  	[dreg:$0x3] =	wrdreg s24  }
0xb1: {  	[dreg:$0x4] =	wrdreg s18  }
0xb2: {  	[dreg:$0x5] =	wrdreg $0x0  }
0xb3: {  	[dreg:$0x6] =	wrdreg $0x9  }
0xb4: {  	_ =	task.clear_ibuf [dreg:s8], $0x7FFFF;
	_ =	strace $0x90000046  }
0xb5: {  	s29 =	simm.s32 $0x9;
	_ =	strace $0x80000048  }
0xb6: {  	_ =	swait.ge [sflag:s29], $0x1  }
0xb7: {  	[sflag:s29] =	ssyncadd.s32 $0xFFFFFFFF  }
0xb8: {  	_ =	strace $0x90000048  }
0xb9: {  	_ =	sfence  }
0xba: {  	s30 =	sld [smem:$0x0];
	_ =	sdelay $0x2  }
0xbb: {  	s31 =	sshll.u32 s1, $0xD;
	s1 =	sshrl.u32 s1, $0x2  }
0xbc: {  	s3 =	sand.u32 $0x4000, s31;
	s1 =	sadd.s32 s1, s30  }
0xbd: {  	s0 =	sor.u32 s3, s0;
	s1 =	sshll.u32 s1, $0x11  }
0xbe: {  	s0 =	sor.u32 s1, s0  }
0xbf: {  	s0 =	sadd.s32 $0x8F2B, s0  }
0xc0: {  	[sflag:s0] =	ssyncadd.remote.s32 $0x1  }
0xc1: {  	_ =	sfence.sel $0xFFFF  }
0xc2: {  	[dreg:$0x0] =	wrdreg $0xFFFFFFFF;
	(pc) =	sbr.abs _section_cstart, $3  }
0xc3: {  	[dreg:$0x1] =	wrdreg $0xFFFFFFFF  }
0xc4: {  	_ =	task.clear_ibuf [dreg:s8], $0x2FFFF;
	_ =	strace $0x9FFFFFFF  }
0xc5: {  	(tm) =	ssettm $0x7FFFFFFF  }
tec
execute0_lowered:
.L_overlay_start_1:
0x0: {  	(tag) =	ssettag $0x1  }
0x1: {  	s0 =	rddreg [dreg:$0x1]  }
0x2: {  	s1 =	rddreg [dreg:$0x2]  }
0x3: {  	s2 =	srdreg.scid;
	s8 =	stileid.u32  }
0x4: {  	s3 =	rddreg [dreg:$0x3];
	s4 =	simm.s32 $0x0;
	s16 =	simm.s32 $0x9  }
0x5: {  	s17 =	simm.s32 $0x2E0;
	s18 =	simm.s32 $0x80;
	s19 =	simm.s32 $0x22E0  }
0x6: {  	s21 =	simm.s32 $0x62E0;
	s28 =	simm.s32 $0xE2E0;
	s29 =	simm.s32 $0x3  }
0x7: {  	s30 =	simm.s32 $0x5;
	s31 =	simm.s32 $0x4;
	s20 =	simm.s32 $0x0  }
0x8: {  	s2 =	sand.u32 $0x1, s2;
	s5 =	sshll.u32 s8, $0x1;
	[smem:$0x7FF] =	sst s4  }
0x9: {  	s23 =	sshll.u32 s8, $0x6;
	s25 =	sshll.u32 s8, $0x15;
	s15 =	sshrl.u32 s3, $0x3  }
0xa: {  	s5 =	sor.u32 s2, s5;
	s7 =	ssub.s32 $0x2, s2;
	_ =	strace $0x80000047  }
0xb: {  	s2 =	sshll.u32 s2, $0x14;
	s6 =	sshll.u32 s5, $0xA;
	s22 =	sshrl.u32 s7, $0x1  }
0xc: {  	s0 =	sadd.s32 s6, s0;
	s6 =	ssub.s32 s7, s22;
	s7 =	sor.u32 $0x1C09, s23  }
0xd: {  	s5 =	sshll.u32 s5, $0x11;
	s22 =	simm.s32 $0x1;
	[dreg:$0x5] =	wrdreg s7  }
0xe: {  	s0 =	sadd.s32 $0x400, s0;
	s7 =	sadd.s32 s1, s5;
	s11 =	smax.u32 s6, $0x1  }
0xf: {  	[dreg:$0x6] =	wrdreg s0;
	s24 =	sadd.s32 $0x800, s7;
	s5 =	sadd.s32 $0x1F000, s7  }
0x10: {  	s10 =	sadd.s32 $0x1F800, s7;
	s0 =	sor.u32 s2, s25;
	[dreg:$0x7] =	wrdreg s24  }
0x11: {  	s25 =	simm.s32 $0x2;
	[dreg:$0x8] =	wrdreg s5;
	s2 =	sshrl.u32 s0, $0x3  }
0x12: {  	s26 =	sor.u32 $0x10000, s0;
	s0 =	sor.u32 $0x14000, s0;
	s24 =	simm.s32 $0xA2E0  }
0x13: {  	s2 =	sadd.s32 s2, s1;
	s5 =	sshrl.u32 s26, $0x3;
	s0 =	sshrl.u32 s0, $0x3  }
0x14: {  	s12 =	sadd.s32 $0x1800, s2;
	s13 =	sadd.s32 s5, s1;
	s14 =	sadd.s32 s0, s1  }
0x15: {  	s2 =	simm.s32 $0x6;
	s0 =	simm.s32 $0x7;
	s1 =	simm.s32 $0x8  }
.LBB2_1:
0x16: {  	s5 =	rddreg [dreg:$0x0]  }
0x17: {  	s6 =	rddreg [dreg:$0x5]  }
0x18: {  	[spmem:s15], [sflag:s6] =	dma.local [hbm:s5], $0x5C0  }
0x19: {  	_ =	swait.ge [sflag:s16], $0x5C0  }
0x1a: {  	[sflag:s16] =	ssyncset.done $0x0  }
0x1b: {  	s8 =	rddreg [dreg:$0x6];
	[sflag:s16] =	ssyncadd.s32 $0xFFFFFA40  }
0x1c: {  	[tilespmem:s17], [sflag:$0x9] =	stream.linear.gather [hbm4b:s8+s4], $0x2000, $0x38;
	[tilespmem:$0x122E0] =	vst v63  }
0x1d: {  	_ =	swait.ge [sflag:s16], $0x2000  }
0x1e: {  	[sflag:s16] =	ssyncset.done $0x0  }
0x1f: {  	[sflag:s16] =	ssyncadd.s32 $0xFFFFE000  }
0x20: {  	[tilespmem:s19], [sflag:$0x1] =	stream.indirect.gather [spmem:s3], $0x80, s17, s18, $0xb8;
	[tilespmem:$0x122E0] =	vst v63  }
0x21: {  	s9 =	simm.s32 $0x360  }
0x22: {  	[tilespmem:s21], [sflag:$0x2] =	stream.indirect.gather [spmem:s3], $0x80, s9, s18, $0xb8;
	[tilespmem:$0x122E0] =	vst v63  }
0x23: {  	_ =	swait.ge [sflag:s22], $0x4000  }
0x24: {  	[sflag:s22] =	ssyncset.done $0x0  }
0x25: {  	[sflag:s22] =	ssyncadd.s32 $0xFFFFC000  }
0x26: {  	[hbm4b:s7+s4] =	stream.linear.scatter [tilespmem:s19], [sflag:$0x5], $0x4000, $0x38;
	[tilespmem:$0x122E0] =	vst v63  }
0x27: {  	s23 =	simm.s32 $0x3E0  }
0x28: {  	[tilespmem:s24], [sflag:$0x3] =	stream.indirect.gather [spmem:s3], $0x80, s23, s18, $0xb8;
	[tilespmem:$0x122E0] =	vst v63  }
0x29: {  	_ =	swait.ge [sflag:s25], $0x4000  }
0x2a: {  	[sflag:s25] =	ssyncset.done $0x0  }
0x2b: {  	s26 =	rddreg [dreg:$0x7];
	[sflag:s25] =	ssyncadd.s32 $0xFFFFC000  }
0x2c: {  	[hbm4b:s26+s4] =	stream.linear.scatter [tilespmem:s21], [sflag:$0x6], $0x4000, $0x38;
	[tilespmem:$0x122E0] =	vst v63  }
0x2d: {  	s6 =	simm.s32 $0x460  }
0x2e: {  	[tilespmem:s28], [sflag:$0x4] =	stream.indirect.gather [spmem:s3], $0x80, s6, s18, $0xb8;
	[tilespmem:$0x122E0] =	vst v63  }
0x2f: {  	_ =	swait.ge [sflag:s29], $0x4000  }
0x30: {  	[sflag:s29] =	ssyncset.done $0x0  }
0x31: {  	s8 =	sadd.s32 $0xFFFFF800, s12;
	[sflag:s29] =	ssyncadd.s32 $0xFFFFC000  }
0x32: {  	[hbm4b:s8+s4] =	stream.linear.scatter [tilespmem:s24], [sflag:$0x7], $0x4000, $0x38;
	[tilespmem:$0x122E0] =	vst v63  }
0x33: {  	_ =	swait.ge [sflag:s30], $0x4000  }
0x34: {  	[sflag:s30] =	ssyncset.done $0x0  }
0x35: {  	s9 =	simm.s32 $0x4E0;
	[sflag:s30] =	ssyncadd.s32 $0xFFFFC000  }
0x36: {  	[tilespmem:s19], [sflag:$0x1] =	stream.indirect.gather [spmem:s3], $0x80, s9, s18, $0xb8;
	[tilespmem:$0x122E0] =	vst v63  }
0x37: {  	_ =	swait.ge [sflag:s31], $0x4000  }
0x38: {  	[sflag:s31] =	ssyncset.done $0x0  }
0x39: {  	[sflag:s31] =	ssyncadd.s32 $0xFFFFC000  }
0x3a: {  	[hbm4b:s12+s4] =	stream.linear.scatter [tilespmem:s28], [sflag:$0x8], $0x4000, $0x38;
	[tilespmem:$0x122E0] =	vst v63  }
0x3b: {  	_ =	swait.ge [sflag:s2], $0x4000  }
0x3c: {  	[sflag:s2] =	ssyncset.done $0x0  }
0x3d: {  	s23 =	simm.s32 $0x560;
	[sflag:s2] =	ssyncadd.s32 $0xFFFFC000  }
0x3e: {  	[tilespmem:s21], [sflag:$0x2] =	stream.indirect.gather [spmem:s3], $0x80, s23, s18, $0xb8;
	[tilespmem:$0x122E0] =	vst v63  }
0x3f: {  	_ =	swait.ge [sflag:s22], $0x4000  }
0x40: {  	[sflag:s22] =	ssyncset.done $0x0  }
0x41: {  	[sflag:s22] =	ssyncadd.s32 $0xFFFFC000  }
0x42: {  	[hbm4b:s13+s4] =	stream.linear.scatter [tilespmem:s19], [sflag:$0x5], $0x4000, $0x38;
	[tilespmem:$0x122E0] =	vst v63  }
0x43: {  	_ =	swait.ge [sflag:s0], $0x4000  }
0x44: {  	[sflag:s0] =	ssyncset.done $0x0  }
0x45: {  	s26 =	simm.s32 $0x5E0;
	[sflag:s0] =	ssyncadd.s32 $0xFFFFC000  }
0x46: {  	[tilespmem:s24], [sflag:$0x3] =	stream.indirect.gather [spmem:s3], $0x80, s26, s18, $0xb8;
	[tilespmem:$0x122E0] =	vst v63  }
0x47: {  	_ =	swait.ge [sflag:s25], $0x4000  }
0x48: {  	[sflag:s25] =	ssyncset.done $0x0  }
0x49: {  	[sflag:s25] =	ssyncadd.s32 $0xFFFFC000  }
0x4a: {  	[hbm4b:s14+s4] =	stream.linear.scatter [tilespmem:s21], [sflag:$0x6], $0x4000, $0x38;
	[tilespmem:$0x122E0] =	vst v63  }
0x4b: {  	s5 =	sadd.s32 $0x2000, s14;
	_ =	swait.ge [sflag:s1], $0x4000  }
0x4c: {  	s6 =	sadd.s32 $0x2000, s12;
	s8 =	simm.s32 $0x660;
	[sflag:s1] =	ssyncset.done $0x0  }
0x4d: {  	s23 =	simm.s32 $0x800;
	s26 =	sadd.s32 $0x2000, s13;
	[sflag:s1] =	ssyncadd.s32 $0xFFFFC000  }
.LBB2_2:
0x4e: {  	[tilespmem:s28], [sflag:$0x4] =	stream.indirect.gather [spmem:s3], $0x80, s8, s18, $0xb8;
	[tilespmem:$0x122E0] =	vst v63  }
0x4f: {  	s8 =	smov.u32 s23  }
0x50: {  	p0 =	sne.s32 s23, $0x7000;
	s23 =	sadd.s32 $0x800, s23;
	_ =	swait.ge [sflag:s29], $0x4000  }
0x51: {  	[sflag:s29] =	ssyncset.done $0x0  }
0x52: {  	s9 =	sadd.s32 $0xFFFFF800, s6;
	[sflag:s29] =	ssyncadd.s32 $0xFFFFC000  }
0x53: {  	[hbm4b:s9+s4] =	stream.linear.scatter [tilespmem:s24], [sflag:$0x7], $0x4000, $0x38;
	[tilespmem:$0x122E0] =	vst v63  }
0x54: {  	_ =	swait.ge [sflag:s30], $0x4000  }
0x55: {  	s8 =	sshra.s32 s8, $0x2;
	[sflag:s30] =	ssyncset.done $0x0  }
0x56: {  	s9 =	sadd.s32 $0x4E0, s8;
	[sflag:s30] =	ssyncadd.s32 $0xFFFFC000  }
0x57: {  	[tilespmem:s19], [sflag:$0x1] =	stream.indirect.gather [spmem:s3], $0x80, s9, s18, $0xb8;
	[tilespmem:$0x122E0] =	vst v63  }
0x58: {  	_ =	swait.ge [sflag:s31], $0x4000  }
0x59: {  	[sflag:s31] =	ssyncset.done $0x0  }
0x5a: {  	[sflag:s31] =	ssyncadd.s32 $0xFFFFC000  }
0x5b: {  	[hbm4b:s6+s4] =	stream.linear.scatter [tilespmem:s28], [sflag:$0x8], $0x4000, $0x38;
	[tilespmem:$0x122E0] =	vst v63  }
0x5c: {  	_ =	swait.ge [sflag:s2], $0x4000  }
0x5d: {  	[sflag:s2] =	ssyncset.done $0x0  }
0x5e: {  	s9 =	sadd.s32 $0x560, s8;
	[sflag:s2] =	ssyncadd.s32 $0xFFFFC000  }
0x5f: {  	[tilespmem:s21], [sflag:$0x2] =	stream.indirect.gather [spmem:s3], $0x80, s9, s18, $0xb8;
	[tilespmem:$0x122E0] =	vst v63  }
0x60: {  	_ =	swait.ge [sflag:s22], $0x4000  }
0x61: {  	[sflag:s22] =	ssyncset.done $0x0  }
0x62: {  	[sflag:s22] =	ssyncadd.s32 $0xFFFFC000  }
0x63: {  	[hbm4b:s26+s4] =	stream.linear.scatter [tilespmem:s19], [sflag:$0x5], $0x4000, $0x38;
	[tilespmem:$0x122E0] =	vst v63  }
0x64: {  	_ =	swait.ge [sflag:s0], $0x4000  }
0x65: {  	[sflag:s0] =	ssyncset.done $0x0  }
0x66: {  	s9 =	sadd.s32 $0x5E0, s8;
	[sflag:s0] =	ssyncadd.s32 $0xFFFFC000  }
0x67: {  	[tilespmem:s24], [sflag:$0x3] =	stream.indirect.gather [spmem:s3], $0x80, s9, s18, $0xb8;
	[tilespmem:$0x122E0] =	vst v63  }
0x68: {  	_ =	swait.ge [sflag:s25], $0x4000  }
0x69: {  	[sflag:s25] =	ssyncset.done $0x0  }
.Ltmp0:
0x6a: {  	[sflag:s25] =	ssyncadd.s32 $0xFFFFC000;
	(pc) =	sbr.rel @p0 .LBB2_2-.Ltmp0, $4  }
0x6b: {  	[hbm4b:s5+s4] =	stream.linear.scatter [tilespmem:s21], [sflag:$0x6], $0x4000, $0x38;
	[tilespmem:$0x122E0] =	vst v63  }
0x6c: {  	_ =	swait.ge [sflag:s1], $0x4000  }
0x6d: {  	s26 =	sadd.s32 $0x2000, s26;
	s5 =	sadd.s32 $0x2000, s5;
	[sflag:s1] =	ssyncset.done $0x0  }
0x6e: {  	s6 =	sadd.s32 $0x2000, s6;
	s8 =	sadd.s32 $0x660, s8;
	[sflag:s1] =	ssyncadd.s32 $0xFFFFC000  }
0x6f: {  	[tilespmem:s28], [sflag:$0x4] =	stream.indirect.gather [spmem:s3], $0x80, s8, s18, $0xb8;
	[tilespmem:$0x122E0] =	vst v63  }
0x70: {  	_ =	swait.ge [sflag:s29], $0x4000  }
0x71: {  	[sflag:s29] =	ssyncset.done $0x0  }
0x72: {  	s5 =	rddreg [dreg:$0x8];
	[sflag:s29] =	ssyncadd.s32 $0xFFFFC000  }
0x73: {  	[hbm4b:s5+s4] =	stream.linear.scatter [tilespmem:s24], [sflag:$0x7], $0x4000, $0x38;
	[tilespmem:$0x122E0] =	vst v63  }
0x74: {  	_ =	swait.ge [sflag:s30], $0x4000  }
0x75: {  	[sflag:s30] =	ssyncset.done $0x0  }
0x76: {  	[sflag:s30] =	ssyncadd.s32 $0xFFFFC000  }
0x77: {  	_ =	swait.ge [sflag:s31], $0x4000  }
0x78: {  	[sflag:s31] =	ssyncset.done $0x0  }
0x79: {  	[sflag:s31] =	ssyncadd.s32 $0xFFFFC000  }
0x7a: {  	[hbm4b:s10+s4] =	stream.linear.scatter [tilespmem:s28], [sflag:$0x8], $0x4000, $0x38;
	[tilespmem:$0x122E0] =	vst v63  }
0x7b: {  	_ =	swait.ge [sflag:s2], $0x4000  }
0x7c: {  	[sflag:s2] =	ssyncset.done $0x0  }
0x7d: {  	s20 =	sadd.s32 $0x1, s20;
	[sflag:s2] =	ssyncadd.s32 $0xFFFFC000  }
0x7e: {  	p0 =	sne.s32 s20, s11;
	_ =	swait.ge [sflag:s0], $0x4000  }
.Ltmp1:
0x7f: {  	[sflag:s0] =	ssyncset.done $0x0;
	(pc) =	sbr.rel @p0 .LBB2_1-.Ltmp1, $4  }
0x80: {  	[sflag:s0] =	ssyncadd.s32 $0xFFFFC000  }
0x81: {  	_ =	swait.ge [sflag:s1], $0x4000  }
0x82: {  	[sflag:s1] =	ssyncset.done $0x0  }
0x83: {  	[sflag:s1] =	ssyncadd.s32 $0xFFFFC000  }
0x84: {  	_ =	sfence.sel $0x180000  }
0x85: {  	[bflag:$0x0] =	sbarrier.arrive $0xFFFF  }
0x86: {  	_ =	strace $0x90000047  }
0x87: {  	s0 =	stileid.u32;
	[bflag:$0x2] =	sbarrier.arrive $0xFFFF  }
0x88: {  	p0 =	sne.s32 s0, $0x0;
	s0 =	rddreg [dreg:$0x4]  }
0x89: {  	s0 =	sadd.s32 @!p0 $0x100000, s0  }
0x8a: {  	[sflag:s0] =	ssyncadd.tile.s32 @!p0 $0x1;
	_ =	shalt  }
.Lfunc_end2:
_tile_overlayer_lowered:
.L_overlay_start_2:
0x8b: {  	(tag) =	ssettag $0x2  }
0x8c: {  	s0 =	rddreg [dreg:$0x0];
	s2 =	stileid.u32  }
0x8d: {  	s1 =	rddreg [dreg:$0x1];
	p0 =	sne.s32 s2, $0x0  }
0x8e: {  	s3 =	rddreg [dreg:$0x2];
	[bflag:$0x3] =	sbarrier.arrive $0xFFFF;
	s2 =	simm.s32 @!p0 $0x1C09  }
0x8f: {  	[timem:s3], [sflag:s2] =	dma.local @!p0 [hbm:s0], s1  }
0x90: {  	s0 =	simm.s32 @!p0 $0x9  }
0x91: {  	_ =	swait.ge @!p0 [sflag:s0], s1  }
0x92: {  	s1 =	ssub.s32 @!p0 $0x0, s1;
	[sflag:s0] =	ssyncset.done @!p0 $0x0  }
0x93: {  	[sflag:s0] =	ssyncadd.s32 @!p0 s1  }
0x94: {  	[bflag:$0x3] =	sbarrier.arrive $0xFFFF  }
0x95: {  	_ =	shalt  }

</sc_bundles>
